<compile_context>
chip_gen: v7x
topology: tpu7x:2x2x1
jax: 0.10.2.dev20260603
libtpu: 0.0.44.dev20260713+nightly
codegen_flags: <defaults>
</compile_context>

<pallas_src>
import jax
import jax.numpy as jnp
from jax import lax
from jax.experimental import pallas as pl
from jax.experimental.pallas import tpu as pltpu
from jax.experimental.pallas import tpu_sc as plsc

_P = 2048
_D = 4096
_C = 128
_NCHUNK = _D // _C
_K = 24


def _finite_or_zero(x):
    return jnp.where(jnp.isfinite(x), x, 0.0)


def _match_block(sig_ref, dbt_ref, pay_ref, bias_ref, dcol_ref, drow_ref,
                 idxo_ref, mdo_ref, dba_ref):
    @pl.when(pl.program_id(0) == 0)
    def _prep():
        dbt = dbt_ref[...]
        se_col = (dcol_ref[:, 0:1] * 0.001 < 0.001).astype(jnp.float32)
        dbm = dbt * se_col
        dn2 = jnp.sum(dbm * dbm, axis=0, keepdims=True)
        dbn = _finite_or_zero(dbm / jnp.sqrt(dn2))
        dbsq_half = 0.5 * jnp.sum(dbn * dbn, axis=0, keepdims=True)
        dba_ref[0:16, :] = -dbn
        dba_ref[16:17, :] = dbsq_half + bias_ref[0:1, :]
        dba_ref[17:_K, :] = jnp.zeros((_K - 17, _D), jnp.float32)

    sig = sig_ref[...]
    sn2 = jnp.sum(sig * sig, axis=1, keepdims=True)
    sign = _finite_or_zero(sig / jnp.sqrt(sn2))
    pix = sign[:, 0:1] > 1e-6
    se_row = (drow_ref[0:1, :] * 0.001 < 0.001).astype(jnp.float32)
    q = sign * se_row
    qn2 = jnp.sum(q * q, axis=1, keepdims=True)
    qn = _finite_or_zero(q / jnp.sqrt(qn2))
    qa = jnp.concatenate(
        [qn, jnp.ones((_P, 1), jnp.float32),
         jnp.zeros((_P, _K - 17), jnp.float32)], axis=1)

    keys = jax.lax.dot_general(
        qa, dba_ref[...], (((1,), (0,)), ((), ())),
        preferred_element_type=jnp.float32)

    pay = pay_ref[...]
    run_key = keys[:, 0:_C]
    run_idx = jnp.broadcast_to(pay[0:1, :], run_key.shape)
    for c in range(1, _NCHUNK):
        kc = keys[:, c * _C:(c + 1) * _C]
        cond = kc < run_key
        run_key = jnp.where(cond, kc, run_key)
        run_idx = jnp.where(cond, pay[c:c + 1, :], run_idx)

    m = jnp.min(run_key, axis=1, keepdims=True)
    mind = jnp.sqrt(jnp.maximum(1.0 + 2.0 * m, 1e-12))
    idxv = jnp.min(jnp.where(run_key == m, run_idx, _D), axis=1,
                   keepdims=True)
    idxo_ref[...] = jnp.where(pix, idxv, _D - 1)
    mdo_ref[...] = jnp.where(pix, mind, 0.0)


def _sc_gather(idx_hbm, t2_hbm, b1_hbm, t2o_hbm, b1o_hbm,
               t2v, b1v, idxv, ot2, ob1):
    info = plsc.get_sparse_core_info()
    nw = info.num_cores * info.num_subcores
    wid = lax.axis_index("s") * info.num_cores + lax.axis_index("c")
    bw = idx_hbm.shape[0] // nw
    base = wid * bw
    pltpu.sync_copy(t2_hbm, t2v)
    pltpu.sync_copy(b1_hbm, b1v)
    pltpu.sync_copy(idx_hbm.at[pl.ds(base, bw)], idxv)

    def body(i, carry):
        off = i * 16
        iv = idxv[pl.ds(off, 16)]
        ot2[pl.ds(off, 16)] = plsc.load_gather(t2v, [iv])
        ob1[pl.ds(off, 16)] = plsc.load_gather(b1v, [iv])
        return carry

    lax.fori_loop(0, bw // 16, body, 0)
    pltpu.sync_copy(ot2, t2o_hbm.at[pl.ds(base, bw)])
    pltpu.sync_copy(ob1, b1o_hbm.at[pl.ds(base, bw)])


def kernel(slice_signal, db_torch_mag, db_t2s_s, db_b1s, delta_t_r2p_ms):
    n_db, etl = db_torch_mag.shape
    sig = slice_signal.reshape(-1, etl)
    npix = sig.shape[0]
    pad = _D - n_db

    dbt = jnp.pad(db_torch_mag, ((0, pad), (0, 0))).T
    pay = jnp.arange(_D, dtype=jnp.int32).reshape(_NCHUNK, _C)
    bias = jnp.pad(jnp.zeros((n_db,), jnp.float32), (0, pad),
                   constant_values=1e30)
    bias = jnp.broadcast_to(bias[None, :], (8, _D))
    dcol = jnp.broadcast_to(delta_t_r2p_ms[:, None], (etl, 8))
    drow = jnp.broadcast_to(delta_t_r2p_ms[None, :], (8, etl))

    grid = (npix // _P,)
    idxo, mdo = pl.pallas_call(
        _match_block,
        grid=grid,
        in_specs=[
            pl.BlockSpec((_P, etl), lambda i: (i, 0)),
            pl.BlockSpec((etl, _D), lambda i: (0, 0)),
            pl.BlockSpec((_NCHUNK, _C), lambda i: (0, 0)),
            pl.BlockSpec((8, _D), lambda i: (0, 0)),
            pl.BlockSpec((etl, 8), lambda i: (0, 0)),
            pl.BlockSpec((8, etl), lambda i: (0, 0)),
        ],
        out_specs=[
            pl.BlockSpec((_P, 1), lambda i: (i, 0)),
            pl.BlockSpec((_P, 1), lambda i: (i, 0)),
        ],
        out_shape=[
            jax.ShapeDtypeStruct((npix, 1), jnp.int32),
            jax.ShapeDtypeStruct((npix, 1), jnp.float32),
        ],
        scratch_shapes=[pltpu.VMEM((_K, _D), jnp.float32)],
    )(sig, dbt, pay, bias, dcol, drow)

    t2tab = jnp.pad(db_t2s_s, (0, pad))
    b1tab = jnp.pad(db_b1s, (0, pad))
    info = plsc.get_sparse_core_info()
    nw = info.num_cores * info.num_subcores
    bw = npix // nw
    sc = pl.kernel(
        _sc_gather,
        mesh=plsc.VectorSubcoreMesh(core_axis_name="c", subcore_axis_name="s"),
        out_type=[
            jax.ShapeDtypeStruct((npix,), jnp.float32),
            jax.ShapeDtypeStruct((npix,), jnp.float32),
        ],
        scratch_types=[
            pltpu.VMEM((_D,), jnp.float32),
            pltpu.VMEM((_D,), jnp.float32),
            pltpu.VMEM((bw,), jnp.int32),
            pltpu.VMEM((bw,), jnp.float32),
            pltpu.VMEM((bw,), jnp.float32),
        ],
        compiler_params=pltpu.CompilerParams(needs_layout_passes=False),
    )
    t2o, b1o = sc(idxo.reshape(npix), t2tab, b1tab)

    return jnp.concatenate([t2o[:, None], b1o[:, None], mdo], axis=1)

# --- scband reference (transcript-rebuilt; emitter-appended) ---
"""Pipeline reference for scband-dictionary-matching-tv-32822140076389 (READ-ONLY COPY).

The authoritative reference and input builder live on the scoring server;
editing this copy changes nothing except your own understanding.
"""

import jax, jax.numpy as jnp
import numpy as np


def _normalize(x):
    n = jnp.linalg.norm(x, axis=-1, keepdims=True)
    return jnp.nan_to_num(x / n, nan=0.0, posinf=0.0, neginf=0.0)


def setup_inputs(seed: int = 0) -> dict:
    key = jax.random.key(seed)
    k1, k2, k3, k4, k5 = jax.random.split(key, 5)
    return {
        "slice_signal": jax.random.uniform(k1, (256, 256, 16), dtype=jnp.float32),
        "db_torch_mag": jax.random.uniform(k2, (4000, 16), dtype=jnp.float32),
        "db_t2s_s": jax.random.uniform(k3, (4000,), dtype=jnp.float32),
        "db_b1s": jax.random.uniform(k4, (4000,), dtype=jnp.float32),
        "delta_t_r2p_ms": jax.random.uniform(k5, (16,), dtype=jnp.float32),
    }


def reference(slice_signal, db_torch_mag, db_t2s_s, db_b1s, delta_t_r2p_ms):
    # Core kNN kernel of DictionaryMatchingTv.estimate_t2_b1_from_se:
    # brute-force L2 nearest-neighbor match of every pixel signal against the
    # simulated dictionary, then gather the matched (t2, b1) parameter values.
    etl = db_torch_mag.shape[-1]
    signal = _normalize(slice_signal).reshape(-1, etl)
    pix_mask = (signal[:, 0] > 1e-6).astype(jnp.float32)
    # spin-echo selection (delta_t_r2p_s < 1ms) applied as a multiplicative mask
    se_mask = ((delta_t_r2p_ms * 0.001) < 0.001).astype(signal.dtype)
    db = _normalize(db_torch_mag * se_mask[None, :])
    sig = _normalize(signal * se_mask[None, :])
    db_sq = jnp.sum(db * db, axis=-1)
    batch = 8192  # mirrors the batched brute-force loop (self.batch_size)
    t2_list, b1_list, d_list = [], [], []
    for i in range(0, sig.shape[0], batch):
        q = sig[i:i + batch]
        q_sq = jnp.sum(q * q, axis=-1)
        d2 = q_sq[:, None] + db_sq[None, :] - 2.0 * (q @ db.T)
        dist = jnp.sqrt(jnp.clip(d2, 1e-12, None))
        idx = jnp.argmin(dist, axis=-1)
        d_list.append(jnp.min(dist, axis=-1))
        t2_list.append(jnp.take(db_t2s_s, idx, axis=0))
        b1_list.append(jnp.take(db_b1s, idx, axis=0))
    t2 = jnp.concatenate(t2_list, axis=0)
    b1 = jnp.concatenate(b1_list, axis=0)
    mind = jnp.concatenate(d_list, axis=0)
    return jnp.stack([t2 * pix_mask, b1 * pix_mask, mind * pix_mask], axis=1)

if __name__ == "__main__":
    import jax
    _d = setup_inputs()
    print(jax.jit(kernel)(*tuple(_d.values())))

</pallas_src>

<mosaic_0001>
#map = affine_map<(d0, d1) -> (0)>
module attributes {stable_mosaic.version = 14 : i64} {
  func.func @_sc_gather(%arg0: i32, %arg1: i32, %arg2: memref<65536xi32, #tpu.memory_space<hbm>>, %arg3: memref<4096xf32, #tpu.memory_space<hbm>>, %arg4: memref<4096xf32, #tpu.memory_space<hbm>>, %arg5: memref<65536xf32, #tpu.memory_space<hbm>>, %arg6: memref<65536xf32, #tpu.memory_space<hbm>>, %arg7: memref<4096xf32, #tpu.memory_space<vmem>>, %arg8: memref<4096xf32, #tpu.memory_space<vmem>>, %arg9: memref<2048xi32, #tpu.memory_space<vmem>>, %arg10: memref<2048xf32, #tpu.memory_space<vmem>>, %arg11: memref<2048xf32, #tpu.memory_space<vmem>>) attributes {dimension_semantics = [#tpu.dimension_semantics<core_parallel>, #tpu.dimension_semantics<subcore_parallel>], iteration_bounds = array<i64: 2, 16>, scalar_prefetch = 0 : i64, scratch_operands = 5 : i64, tpu.core_type = #tpu.core_type<sc_vector_subcore>, window_params = [{transform_indices = #map}, {transform_indices = #map}, {transform_indices = #map}, {transform_indices = #map}, {transform_indices = #map}]} {
    %mul3A = arith.constant 2 : i32
    %mul3A_0 = arith.muli %arg1, %mul3A : i32
    %add3A = arith.addi %mul3A_0, %arg0 : i32
    %mul3A_1 = arith.constant 2048 : i32
    %mul3A_2 = arith.muli %add3A, %mul3A_1 : i32
    "tpu.region"() ({
      %run_scoped3A = tpu.sem_alloc : memref<!tpu.dma_semaphore, #tpu.memory_space<semaphore_mem>>
      tpu.enqueue_dma source(%arg3 : memref<4096xf32, #tpu.memory_space<hbm>>) target(%arg7 : memref<4096xf32, #tpu.memory_space<vmem>>) target_semaphore(%run_scoped3A : memref<!tpu.dma_semaphore, #tpu.memory_space<semaphore_mem>>)
      tpu.wait_dma2 semaphore(%run_scoped3A : memref<!tpu.dma_semaphore, #tpu.memory_space<semaphore_mem>>) src(%arg3 : memref<4096xf32, #tpu.memory_space<hbm>>) dst(%arg7 : memref<4096xf32, #tpu.memory_space<vmem>>)
      tpu.yield
    }) : () -> ()
    "tpu.region"() ({
      %run_scoped3A = tpu.sem_alloc : memref<!tpu.dma_semaphore, #tpu.memory_space<semaphore_mem>>
      tpu.enqueue_dma source(%arg4 : memref<4096xf32, #tpu.memory_space<hbm>>) target(%arg8 : memref<4096xf32, #tpu.memory_space<vmem>>) target_semaphore(%run_scoped3A : memref<!tpu.dma_semaphore, #tpu.memory_space<semaphore_mem>>)
      tpu.wait_dma2 semaphore(%run_scoped3A : memref<!tpu.dma_semaphore, #tpu.memory_space<semaphore_mem>>) src(%arg4 : memref<4096xf32, #tpu.memory_space<hbm>>) dst(%arg8 : memref<4096xf32, #tpu.memory_space<vmem>>)
      tpu.yield
    }) : () -> ()
    "tpu.region"() ({
      %run_scoped3A = tpu.sem_alloc : memref<!tpu.dma_semaphore, #tpu.memory_space<semaphore_mem>>
      %dma_start3A = tpu.memref_slice %arg2[%mul3A_2] : memref<65536xi32, #tpu.memory_space<hbm>> -> memref<2048xi32, #tpu.memory_space<hbm>>
      %dma_start3A_8 = tpu.memref_slice %arg2[%mul3A_2] : memref<65536xi32, #tpu.memory_space<hbm>> -> memref<2048xi32, #tpu.memory_space<hbm>>
      tpu.enqueue_dma source(%dma_start3A_8 : memref<2048xi32, #tpu.memory_space<hbm>>) target(%arg9 : memref<2048xi32, #tpu.memory_space<vmem>>) target_semaphore(%run_scoped3A : memref<!tpu.dma_semaphore, #tpu.memory_space<semaphore_mem>>)
      %dma_wait3A = tpu.memref_slice %arg2[%mul3A_2] : memref<65536xi32, #tpu.memory_space<hbm>> -> memref<2048xi32, #tpu.memory_space<hbm>>
      %dma_wait3A_9 = tpu.memref_slice %arg2[%mul3A_2] : memref<65536xi32, #tpu.memory_space<hbm>> -> memref<2048xi32, #tpu.memory_space<hbm>>
      tpu.wait_dma2 semaphore(%run_scoped3A : memref<!tpu.dma_semaphore, #tpu.memory_space<semaphore_mem>>) src(%dma_wait3A_9 : memref<2048xi32, #tpu.memory_space<hbm>>) dst(%arg9 : memref<2048xi32, #tpu.memory_space<vmem>>)
      tpu.yield
    }) : () -> ()
    %scan3A = arith.constant 0 : i32
    %scan3A_3 = arith.constant 0 : i32
    %scan3A_4 = arith.constant 128 : i32
    %scan3A_5 = arith.addi %scan3A_3, %scan3A_4 : i32
    %scan3A_6 = arith.constant 1 : i32
    scf.for %scan3A_8 = %scan3A_3 to %scan3A_5 step %scan3A_6  : i32 {
      %mul3A_9 = arith.constant 16 : i32
      %mul3A_10 = arith.muli %scan3A_8, %mul3A_9 : i32
      %get3A = arith.index_cast %mul3A_10 : i32 to index
      %get3A_11 = tpu.vector_load %arg9[%get3A] {strides = array<i32>} : memref<2048xi32, #tpu.memory_space<vmem>>, vector<16xi32>,
      %gather3A = tpu.vector_load_idx %arg7[%get3A_11] : memref<4096xf32, #tpu.memory_space<vmem>>[vector<16xi32>], vector<16xf32>,
      %swap3A = arith.index_cast %mul3A_10 : i32 to index
      %swap3A_12 = tpu.vector_load %arg10[%swap3A] {strides = array<i32>} : memref<2048xf32, #tpu.memory_space<vmem>>, vector<16xf32>,
      tpu.vector_store %arg10[%swap3A], %gather3A {strides = array<i32>} : memref<2048xf32, #tpu.memory_space<vmem>>, vector<16xf32>,
      %gather3A_13 = tpu.vector_load_idx %arg8[%get3A_11] : memref<4096xf32, #tpu.memory_space<vmem>>[vector<16xi32>], vector<16xf32>,
      %swap3A_14 = arith.index_cast %mul3A_10 : i32 to index
      %swap3A_15 = tpu.vector_load %arg11[%swap3A_14] {strides = array<i32>} : memref<2048xf32, #tpu.memory_space<vmem>>, vector<16xf32>,
      tpu.vector_store %arg11[%swap3A_14], %gather3A_13 {strides = array<i32>} : memref<2048xf32, #tpu.memory_space<vmem>>, vector<16xf32>,
    }
    %scan3A_7 = arith.constant 128 : i32
    "tpu.region"() ({
      %run_scoped3A = tpu.sem_alloc : memref<!tpu.dma_semaphore, #tpu.memory_space<semaphore_mem>>
      %dma_start3A = tpu.memref_slice %arg5[%mul3A_2] : memref<65536xf32, #tpu.memory_space<hbm>> -> memref<2048xf32, #tpu.memory_space<hbm>>
      %dma_start3A_8 = tpu.memref_slice %arg5[%mul3A_2] : memref<65536xf32, #tpu.memory_space<hbm>> -> memref<2048xf32, #tpu.memory_space<hbm>>
      tpu.enqueue_dma source(%arg10 : memref<2048xf32, #tpu.memory_space<vmem>>) target(%dma_start3A_8 : memref<2048xf32, #tpu.memory_space<hbm>>) target_semaphore(%run_scoped3A : memref<!tpu.dma_semaphore, #tpu.memory_space<semaphore_mem>>)
      %dma_wait3A = tpu.memref_slice %arg5[%mul3A_2] : memref<65536xf32, #tpu.memory_space<hbm>> -> memref<2048xf32, #tpu.memory_space<hbm>>
      %dma_wait3A_9 = tpu.memref_slice %arg5[%mul3A_2] : memref<65536xf32, #tpu.memory_space<hbm>> -> memref<2048xf32, #tpu.memory_space<hbm>>
      tpu.wait_dma2 semaphore(%run_scoped3A : memref<!tpu.dma_semaphore, #tpu.memory_space<semaphore_mem>>) src(%arg10 : memref<2048xf32, #tpu.memory_space<vmem>>) dst(%dma_wait3A_9 : memref<2048xf32, #tpu.memory_space<hbm>>)
      tpu.yield
    }) : () -> ()
    "tpu.region"() ({
      %run_scoped3A = tpu.sem_alloc : memref<!tpu.dma_semaphore, #tpu.memory_space<semaphore_mem>>
      %dma_start3A = tpu.memref_slice %arg6[%mul3A_2] : memref<65536xf32, #tpu.memory_space<hbm>> -> memref<2048xf32, #tpu.memory_space<hbm>>
      %dma_start3A_8 = tpu.memref_slice %arg6[%mul3A_2] : memref<65536xf32, #tpu.memory_space<hbm>> -> memref<2048xf32, #tpu.memory_space<hbm>>
      tpu.enqueue_dma source(%arg11 : memref<2048xf32, #tpu.memory_space<vmem>>) target(%dma_start3A_8 : memref<2048xf32, #tpu.memory_space<hbm>>) target_semaphore(%run_scoped3A : memref<!tpu.dma_semaphore, #tpu.memory_space<semaphore_mem>>)
      %dma_wait3A = tpu.memref_slice %arg6[%mul3A_2] : memref<65536xf32, #tpu.memory_space<hbm>> -> memref<2048xf32, #tpu.memory_space<hbm>>
      %dma_wait3A_9 = tpu.memref_slice %arg6[%mul3A_2] : memref<65536xf32, #tpu.memory_space<hbm>> -> memref<2048xf32, #tpu.memory_space<hbm>>
      tpu.wait_dma2 semaphore(%run_scoped3A : memref<!tpu.dma_semaphore, #tpu.memory_space<semaphore_mem>>) src(%arg11 : memref<2048xf32, #tpu.memory_space<vmem>>) dst(%dma_wait3A_9 : memref<2048xf32, #tpu.memory_space<hbm>>)
      tpu.yield
    }) : () -> ()
    return
  }
}

module attributes {stable_mosaic.version = 14 : i64} {
  func.func @_match_block(%arg0: i32, %arg1: memref<2048x16xf32, #tpu.memory_space<vmem>>, %arg2: memref<16x4096xf32, #tpu.memory_space<vmem>>, %arg3: memref<32x128xi32, #tpu.memory_space<vmem>>, %arg4: memref<8x4096xf32, #tpu.memory_space<vmem>>, %arg5: memref<16x8xf32, #tpu.memory_space<vmem>>, %arg6: memref<8x16xf32, #tpu.memory_space<vmem>>, %arg7: memref<2048x1xi32, #tpu.memory_space<vmem>>, %arg8: memref<2048x1xf32, #tpu.memory_space<vmem>>, %arg9: memref<24x4096xf32, #tpu.memory_space<vmem>>) attributes {dimension_semantics = [#tpu.dimension_semantics<arbitrary>], iteration_bounds = array<i64: 32>, scalar_prefetch = 0 : i64, scratch_operands = 1 : i64, tpu.core_type = #tpu.core_type<tc>, window_params = [{transform_indices = @transform_0, window_bounds = array<i64: 2048, 16>}, {pipeline_mode = #tpu.pipeline_mode<synchronous>, transform_indices = @transform_1, window_bounds = array<i64: 16, 4096>}, {pipeline_mode = #tpu.pipeline_mode<synchronous>, transform_indices = @transform_2, window_bounds = array<i64: 32, 128>}, {pipeline_mode = #tpu.pipeline_mode<synchronous>, transform_indices = @transform_3, window_bounds = array<i64: 8, 4096>}, {pipeline_mode = #tpu.pipeline_mode<synchronous>, transform_indices = @transform_4, window_bounds = array<i64: 16, 8>}, {pipeline_mode = #tpu.pipeline_mode<synchronous>, transform_indices = @transform_5, window_bounds = array<i64: 8, 16>}, {transform_indices = @transform_6, window_bounds = array<i64: 2048, 1>}, {transform_indices = @transform_7, window_bounds = array<i64: 2048, 1>}]} {
    %eq3A = arith.constant 0 : i32
    %eq3A_0 = arith.cmpi eq, %arg0, %eq3A : i32
    %convert_element_type3A = arith.extui %eq3A_0 : i1 to i32
    %cond3A = arith.constant 0 : i32
    %cond3A_1 = arith.cmpi ne, %convert_element_type3A, %cond3A : i32
    scf.if %cond3A_1 {
      %get3A_297 = arith.constant 0 : index
      %get3A_298 = arith.constant 0 : index
      %get3A_299 = vector.load %arg2[%get3A_297, %get3A_298] : memref<16x4096xf32, #tpu.memory_space<vmem>>, vector<16x4096xf32>
      %get3A_300 = arith.constant 0 : index
      %get3A_301 = arith.constant 0 : index
      %get3A_302 = vector.load %arg5[%get3A_300, %get3A_301] : memref<16x8xf32, #tpu.memory_space<vmem>>, vector<16x1xf32>
      %mul3A_303 = arith.constant 1.000000e-03 : f32
      %mul3A_304 = vector.broadcast %mul3A_303 : f32 to vector<16x1xf32>
      %mul3A_305 = arith.mulf %get3A_302, %mul3A_304 : vector<16x1xf32>
      %lt3A_306 = arith.constant 1.000000e-03 : f32
      %lt3A_307 = vector.broadcast %lt3A_306 : f32 to vector<16x1xf32>
      %lt3A_308 = arith.cmpf olt, %mul3A_305, %lt3A_307 : vector<16x1xf32>
      %convert_element_type3A_309 = arith.extui %lt3A_308 : vector<16x1xi1> to vector<16x1xi32>
      %convert_element_type3A_310 = arith.sitofp %convert_element_type3A_309 : vector<16x1xi32> to vector<16x1xf32>
      %mul3A_311 = vector.broadcast %convert_element_type3A_310 : vector<16x1xf32> to vector<16x4096xf32>
      %mul3A_312 = arith.mulf %get3A_299, %mul3A_311 : vector<16x4096xf32>
      %mul3A_313 = arith.mulf %mul3A_312, %mul3A_312 : vector<16x4096xf32>
      %reduce_sum3A_314 = arith.constant dense<0.000000e+00> : vector<4096xf32>
      %reduce_sum3A_315 = vector.multi_reduction <add>, %mul3A_313, %reduce_sum3A_314 [0] : vector<16x4096xf32> to vector<4096xf32>
      %broadcast_in_dim3A_316 = vector.shape_cast %reduce_sum3A_315 : vector<4096xf32> to vector<1x4096xf32>
      %sqrt3A_317 = math.sqrt %broadcast_in_dim3A_316 : vector<1x4096xf32>
      %div3A_318 = vector.broadcast %sqrt3A_317 : vector<1x4096xf32> to vector<16x4096xf32>
      %div3A_319 = arith.divf %mul3A_312, %div3A_318 : vector<16x4096xf32>
      %is_finite3A_320 = tpu.weird %div3A_319 : vector<16x4096xf32> -> vector<16x4096xi1>
      %is_finite3A_321 = arith.constant dense<true> : vector<16x4096xi1>
      %is_finite3A_322 = arith.xori %is_finite3A_320, %is_finite3A_321 : vector<16x4096xi1>
      %jit3A_323 = arith.constant 0.000000e+00 : f32
      %broadcast_in_dim3A_324 = vector.broadcast %jit3A_323 : f32 to vector<16x4096xf32>
      %select_n3A_325 = arith.select %is_finite3A_322, %div3A_319, %broadcast_in_dim3A_324 : vector<16x4096xi1>, vector<16x4096xf32>
      %mul3A_326 = arith.mulf %select_n3A_325, %select_n3A_325 : vector<16x4096xf32>
      %reduce_sum3A_327 = arith.constant dense<0.000000e+00> : vector<4096xf32>
      %reduce_sum3A_328 = vector.multi_reduction <add>, %mul3A_326, %reduce_sum3A_327 [0] : vector<16x4096xf32> to vector<4096xf32>
      %broadcast_in_dim3A_329 = vector.shape_cast %reduce_sum3A_328 : vector<4096xf32> to vector<1x4096xf32>
      %mul3A_330 = arith.constant 5.000000e-01 : f32
      %mul3A_331 = vector.broadcast %mul3A_330 : f32 to vector<1x4096xf32>
      %mul3A_332 = arith.mulf %mul3A_331, %broadcast_in_dim3A_329 : vector<1x4096xf32>
      %neg3A = arith.constant 0.000000e+00 : f32
      %neg3A_333 = vector.broadcast %neg3A : f32 to vector<16x4096xf32>
      %neg3A_334 = arith.subf %neg3A_333, %select_n3A_325 : vector<16x4096xf32>
      %swap3A_335 = arith.constant 0 : index
      %swap3A_336 = arith.constant 0 : index
      %swap3A_337 = vector.load %arg9[%swap3A_335, %swap3A_336] : memref<24x4096xf32, #tpu.memory_space<vmem>>, vector<16x4096xf32>
      tpu.vector_store %arg9[%swap3A_335, %swap3A_336], %neg3A_334 {strides = array<i32>} : memref<24x4096xf32, #tpu.memory_space<vmem>>, vector<16x4096xf32>,
      %get3A_338 = arith.constant 0 : index
      %get3A_339 = arith.constant 0 : index
      %get3A_340 = vector.load %arg4[%get3A_338, %get3A_339] : memref<8x4096xf32, #tpu.memory_space<vmem>>, vector<1x4096xf32>
      %add3A_341 = arith.addf %mul3A_332, %get3A_340 : vector<1x4096xf32>
      %swap3A_342 = arith.constant 16 : index
      %swap3A_343 = arith.constant 0 : index
      %swap3A_344 = vector.load %arg9[%swap3A_342, %swap3A_343] : memref<24x4096xf32, #tpu.memory_space<vmem>>, vector<1x4096xf32>
      tpu.vector_store %arg9[%swap3A_342, %swap3A_343], %add3A_341 {strides = array<i32>} : memref<24x4096xf32, #tpu.memory_space<vmem>>, vector<1x4096xf32>,
      %broadcast_in_dim3A_345 = arith.constant 0.000000e+00 : f32
      %broadcast_in_dim3A_346 = vector.broadcast %broadcast_in_dim3A_345 : f32 to vector<7x4096xf32>
      %swap3A_347 = arith.constant 17 : index
      %swap3A_348 = arith.constant 0 : index
      %swap3A_349 = vector.load %arg9[%swap3A_347, %swap3A_348] : memref<24x4096xf32, #tpu.memory_space<vmem>>, vector<7x4096xf32>
      tpu.vector_store %arg9[%swap3A_347, %swap3A_348], %broadcast_in_dim3A_346 {strides = array<i32>} : memref<24x4096xf32, #tpu.memory_space<vmem>>, vector<7x4096xf32>,
    } else {
    }
    %get3A = arith.constant 0 : index
    %get3A_2 = arith.constant 0 : index
    %get3A_3 = vector.load %arg1[%get3A, %get3A_2] : memref<2048x16xf32, #tpu.memory_space<vmem>>, vector<2048x16xf32>
    %mul3A = arith.mulf %get3A_3, %get3A_3 : vector<2048x16xf32>
    %reduce_sum3A = arith.constant dense<0.000000e+00> : vector<2048xf32>
    %reduce_sum3A_4 = vector.multi_reduction <add>, %mul3A, %reduce_sum3A [1] : vector<2048x16xf32> to vector<2048xf32>
    %broadcast_in_dim3A = vector.shape_cast %reduce_sum3A_4 : vector<2048xf32> to vector<2048x1xf32>
    %sqrt3A = math.sqrt %broadcast_in_dim3A : vector<2048x1xf32>
    %div3A = vector.broadcast %sqrt3A : vector<2048x1xf32> to vector<2048x16xf32>
    %div3A_5 = arith.divf %get3A_3, %div3A : vector<2048x16xf32>
    %is_finite3A = tpu.weird %div3A_5 : vector<2048x16xf32> -> vector<2048x16xi1>
    %is_finite3A_6 = arith.constant dense<true> : vector<2048x16xi1>
    %is_finite3A_7 = arith.xori %is_finite3A, %is_finite3A_6 : vector<2048x16xi1>
    %jit3A = arith.constant 0.000000e+00 : f32
    %broadcast_in_dim3A_8 = vector.broadcast %jit3A : f32 to vector<2048x16xf32>
    %select_n3A = arith.select %is_finite3A_7, %div3A_5, %broadcast_in_dim3A_8 : vector<2048x16xi1>, vector<2048x16xf32>
    %slice3A = vector.extract_strided_slice %select_n3A {offsets = [0, 0], sizes = [2048, 1], strides = [1, 1]} : vector<2048x16xf32> to vector<2048x1xf32>
    %gt3A = arith.constant 9.99999997E-7 : f32
    %gt3A_9 = vector.broadcast %gt3A : f32 to vector<2048x1xf32>
    %gt3A_10 = arith.cmpf ogt, %slice3A, %gt3A_9 : vector<2048x1xf32>
    %get3A_11 = arith.constant 0 : index
    %get3A_12 = arith.constant 0 : index
    %get3A_13 = vector.load %arg6[%get3A_11, %get3A_12] : memref<8x16xf32, #tpu.memory_space<vmem>>, vector<1x16xf32>
    %mul3A_14 = arith.constant 1.000000e-03 : f32
    %mul3A_15 = vector.broadcast %mul3A_14 : f32 to vector<1x16xf32>
    %mul3A_16 = arith.mulf %get3A_13, %mul3A_15 : vector<1x16xf32>
    %lt3A = arith.constant 1.000000e-03 : f32
    %lt3A_17 = vector.broadcast %lt3A : f32 to vector<1x16xf32>
    %lt3A_18 = arith.cmpf olt, %mul3A_16, %lt3A_17 : vector<1x16xf32>
    %convert_element_type3A_19 = arith.extui %lt3A_18 : vector<1x16xi1> to vector<1x16xi32>
    %convert_element_type3A_20 = arith.sitofp %convert_element_type3A_19 : vector<1x16xi32> to vector<1x16xf32>
    %mul3A_21 = vector.broadcast %convert_element_type3A_20 : vector<1x16xf32> to vector<2048x16xf32>
    %mul3A_22 = arith.mulf %select_n3A, %mul3A_21 : vector<2048x16xf32>
    %mul3A_23 = arith.mulf %mul3A_22, %mul3A_22 : vector<2048x16xf32>
    %reduce_sum3A_24 = arith.constant dense<0.000000e+00> : vector<2048xf32>
    %reduce_sum3A_25 = vector.multi_reduction <add>, %mul3A_23, %reduce_sum3A_24 [1] : vector<2048x16xf32> to vector<2048xf32>
    %broadcast_in_dim3A_26 = vector.shape_cast %reduce_sum3A_25 : vector<2048xf32> to vector<2048x1xf32>
    %sqrt3A_27 = math.sqrt %broadcast_in_dim3A_26 : vector<2048x1xf32>
    %div3A_28 = vector.broadcast %sqrt3A_27 : vector<2048x1xf32> to vector<2048x16xf32>
    %div3A_29 = arith.divf %mul3A_22, %div3A_28 : vector<2048x16xf32>
    %is_finite3A_30 = tpu.weird %div3A_29 : vector<2048x16xf32> -> vector<2048x16xi1>
    %is_finite3A_31 = arith.constant dense<true> : vector<2048x16xi1>
    %is_finite3A_32 = arith.xori %is_finite3A_30, %is_finite3A_31 : vector<2048x16xi1>
    %jit3A_33 = arith.constant 0.000000e+00 : f32
    %broadcast_in_dim3A_34 = vector.broadcast %jit3A_33 : f32 to vector<2048x16xf32>
    %select_n3A_35 = arith.select %is_finite3A_32, %div3A_29, %broadcast_in_dim3A_34 : vector<2048x16xi1>, vector<2048x16xf32>
    %broadcast_in_dim3A_36 = arith.constant 1.000000e+00 : f32
    %broadcast_in_dim3A_37 = vector.broadcast %broadcast_in_dim3A_36 : f32 to vector<2048x1xf32>
    %broadcast_in_dim3A_38 = arith.constant 0.000000e+00 : f32
    %broadcast_in_dim3A_39 = vector.broadcast %broadcast_in_dim3A_38 : f32 to vector<2048x7xf32>
    %concatenate3A = tpu.concatenate %select_n3A_35, %broadcast_in_dim3A_37, %broadcast_in_dim3A_39 in 1 : vector<2048x16xf32>, vector<2048x1xf32>, vector<2048x7xf32> -> vector<2048x24xf32>
    %get3A_40 = arith.constant 0 : index
    %get3A_41 = arith.constant 0 : index
    %get3A_42 = vector.load %arg9[%get3A_40, %get3A_41] : memref<24x4096xf32, #tpu.memory_space<vmem>>, vector<24x4096xf32>
    %dot_general3A = arith.constant dense<0.000000e+00> : vector<2048x4096xf32>
    %dot_general3A_43 = tpu.matmul %concatenate3A, %get3A_42, %dot_general3A {dimension_numbers = #tpu.dot_dimension_numbers<[1], [0], [0], [1], [0, 0, 1, 1], [], []>, transpose_lhs_hint = false} : vector<2048x24xf32>, vector<24x4096xf32>, vector<2048x4096xf32> -> vector<2048x4096xf32>
    %get3A_44 = arith.constant 0 : index
    %get3A_45 = arith.constant 0 : index
    %get3A_46 = vector.load %arg3[%get3A_44, %get3A_45] : memref<32x128xi32, #tpu.memory_space<vmem>>, vector<32x128xi32>
    %slice3A_47 = vector.extract_strided_slice %dot_general3A_43 {offsets = [0, 0], sizes = [2048, 128], strides = [1, 1]} : vector<2048x4096xf32> to vector<2048x128xf32>
    %slice3A_48 = vector.extract_strided_slice %get3A_46 {offsets = [0, 0], sizes = [1, 128], strides = [1, 1]} : vector<32x128xi32> to vector<1x128xi32>
    %broadcast_in_dim3A_49 = vector.shape_cast %slice3A_48 : vector<1x128xi32> to vector<1x128xi32>
    %broadcast_in_dim3A_50 = vector.broadcast %broadcast_in_dim3A_49 : vector<1x128xi32> to vector<2048x128xi32>
    %slice3A_51 = vector.extract_strided_slice %dot_general3A_43 {offsets = [0, 128], sizes = [2048, 128], strides = [1, 1]} : vector<2048x4096xf32> to vector<2048x128xf32>
    %lt3A_52 = arith.cmpf olt, %slice3A_51, %slice3A_47 : vector<2048x128xf32>
    %select_n3A_53 = arith.select %lt3A_52, %slice3A_51, %slice3A_47 : vector<2048x128xi1>, vector<2048x128xf32>
    %slice3A_54 = vector.extract_strided_slice %get3A_46 {offsets = [1, 0], sizes = [1, 128], strides = [1, 1]} : vector<32x128xi32> to vector<1x128xi32>
    %broadcast_in_dim3A_55 = vector.shape_cast %slice3A_54 : vector<1x128xi32> to vector<1x128xi32>
    %broadcast_in_dim3A_56 = vector.broadcast %broadcast_in_dim3A_55 : vector<1x128xi32> to vector<2048x128xi32>
    %select_n3A_57 = arith.select %lt3A_52, %broadcast_in_dim3A_56, %broadcast_in_dim3A_50 : vector<2048x128xi1>, vector<2048x128xi32>
    %slice3A_58 = vector.extract_strided_slice %dot_general3A_43 {offsets = [0, 256], sizes = [2048, 128], strides = [1, 1]} : vector<2048x4096xf32> to vector<2048x128xf32>
    %lt3A_59 = arith.cmpf olt, %slice3A_58, %select_n3A_53 : vector<2048x128xf32>
    %select_n3A_60 = arith.select %lt3A_59, %slice3A_58, %select_n3A_53 : vector<2048x128xi1>, vector<2048x128xf32>
    %slice3A_61 = vector.extract_strided_slice %get3A_46 {offsets = [2, 0], sizes = [1, 128], strides = [1, 1]} : vector<32x128xi32> to vector<1x128xi32>
    %broadcast_in_dim3A_62 = vector.shape_cast %slice3A_61 : vector<1x128xi32> to vector<1x128xi32>
    %broadcast_in_dim3A_63 = vector.broadcast %broadcast_in_dim3A_62 : vector<1x128xi32> to vector<2048x128xi32>
    %select_n3A_64 = arith.select %lt3A_59, %broadcast_in_dim3A_63, %select_n3A_57 : vector<2048x128xi1>, vector<2048x128xi32>
    %slice3A_65 = vector.extract_strided_slice %dot_general3A_43 {offsets = [0, 384], sizes = [2048, 128], strides = [1, 1]} : vector<2048x4096xf32> to vector<2048x128xf32>
    %lt3A_66 = arith.cmpf olt, %slice3A_65, %select_n3A_60 : vector<2048x128xf32>
    %select_n3A_67 = arith.select %lt3A_66, %slice3A_65, %select_n3A_60 : vector<2048x128xi1>, vector<2048x128xf32>
    %slice3A_68 = vector.extract_strided_slice %get3A_46 {offsets = [3, 0], sizes = [1, 128], strides = [1, 1]} : vector<32x128xi32> to vector<1x128xi32>
    %broadcast_in_dim3A_69 = vector.shape_cast %slice3A_68 : vector<1x128xi32> to vector<1x128xi32>
    %broadcast_in_dim3A_70 = vector.broadcast %broadcast_in_dim3A_69 : vector<1x128xi32> to vector<2048x128xi32>
    %select_n3A_71 = arith.select %lt3A_66, %broadcast_in_dim3A_70, %select_n3A_64 : vector<2048x128xi1>, vector<2048x128xi32>
    %slice3A_72 = vector.extract_strided_slice %dot_general3A_43 {offsets = [0, 512], sizes = [2048, 128], strides = [1, 1]} : vector<2048x4096xf32> to vector<2048x128xf32>
    %lt3A_73 = arith.cmpf olt, %slice3A_72, %select_n3A_67 : vector<2048x128xf32>
    %select_n3A_74 = arith.select %lt3A_73, %slice3A_72, %select_n3A_67 : vector<2048x128xi1>, vector<2048x128xf32>
    %slice3A_75 = vector.extract_strided_slice %get3A_46 {offsets = [4, 0], sizes = [1, 128], strides = [1, 1]} : vector<32x128xi32> to vector<1x128xi32>
    %broadcast_in_dim3A_76 = vector.shape_cast %slice3A_75 : vector<1x128xi32> to vector<1x128xi32>
    %broadcast_in_dim3A_77 = vector.broadcast %broadcast_in_dim3A_76 : vector<1x128xi32> to vector<2048x128xi32>
    %select_n3A_78 = arith.select %lt3A_73, %broadcast_in_dim3A_77, %select_n3A_71 : vector<2048x128xi1>, vector<2048x128xi32>
    %slice3A_79 = vector.extract_strided_slice %dot_general3A_43 {offsets = [0, 640], sizes = [2048, 128], strides = [1, 1]} : vector<2048x4096xf32> to vector<2048x128xf32>
    %lt3A_80 = arith.cmpf olt, %slice3A_79, %select_n3A_74 : vector<2048x128xf32>
    %select_n3A_81 = arith.select %lt3A_80, %slice3A_79, %select_n3A_74 : vector<2048x128xi1>, vector<2048x128xf32>
    %slice3A_82 = vector.extract_strided_slice %get3A_46 {offsets = [5, 0], sizes = [1, 128], strides = [1, 1]} : vector<32x128xi32> to vector<1x128xi32>
    %broadcast_in_dim3A_83 = vector.shape_cast %slice3A_82 : vector<1x128xi32> to vector<1x128xi32>
    %broadcast_in_dim3A_84 = vector.broadcast %broadcast_in_dim3A_83 : vector<1x128xi32> to vector<2048x128xi32>
    %select_n3A_85 = arith.select %lt3A_80, %broadcast_in_dim3A_84, %select_n3A_78 : vector<2048x128xi1>, vector<2048x128xi32>
    %slice3A_86 = vector.extract_strided_slice %dot_general3A_43 {offsets = [0, 768], sizes = [2048, 128], strides = [1, 1]} : vector<2048x4096xf32> to vector<2048x128xf32>
    %lt3A_87 = arith.cmpf olt, %slice3A_86, %select_n3A_81 : vector<2048x128xf32>
    %select_n3A_88 = arith.select %lt3A_87, %slice3A_86, %select_n3A_81 : vector<2048x128xi1>, vector<2048x128xf32>
    %slice3A_89 = vector.extract_strided_slice %get3A_46 {offsets = [6, 0], sizes = [1, 128], strides = [1, 1]} : vector<32x128xi32> to vector<1x128xi32>
    %broadcast_in_dim3A_90 = vector.shape_cast %slice3A_89 : vector<1x128xi32> to vector<1x128xi32>
    %broadcast_in_dim3A_91 = vector.broadcast %broadcast_in_dim3A_90 : vector<1x128xi32> to vector<2048x128xi32>
    %select_n3A_92 = arith.select %lt3A_87, %broadcast_in_dim3A_91, %select_n3A_85 : vector<2048x128xi1>, vector<2048x128xi32>
    %slice3A_93 = vector.extract_strided_slice %dot_general3A_43 {offsets = [0, 896], sizes = [2048, 128], strides = [1, 1]} : vector<2048x4096xf32> to vector<2048x128xf32>
    %lt3A_94 = arith.cmpf olt, %slice3A_93, %select_n3A_88 : vector<2048x128xf32>
    %select_n3A_95 = arith.select %lt3A_94, %slice3A_93, %select_n3A_88 : vector<2048x128xi1>, vector<2048x128xf32>
    %slice3A_96 = vector.extract_strided_slice %get3A_46 {offsets = [7, 0], sizes = [1, 128], strides = [1, 1]} : vector<32x128xi32> to vector<1x128xi32>
    %broadcast_in_dim3A_97 = vector.shape_cast %slice3A_96 : vector<1x128xi32> to vector<1x128xi32>
    %broadcast_in_dim3A_98 = vector.broadcast %broadcast_in_dim3A_97 : vector<1x128xi32> to vector<2048x128xi32>
    %select_n3A_99 = arith.select %lt3A_94, %broadcast_in_dim3A_98, %select_n3A_92 : vector<2048x128xi1>, vector<2048x128xi32>
    %slice3A_100 = vector.extract_strided_slice %dot_general3A_43 {offsets = [0, 1024], sizes = [2048, 128], strides = [1, 1]} : vector<2048x4096xf32> to vector<2048x128xf32>
    %lt3A_101 = arith.cmpf olt, %slice3A_100, %select_n3A_95 : vector<2048x128xf32>
    %select_n3A_102 = arith.select %lt3A_101, %slice3A_100, %select_n3A_95 : vector<2048x128xi1>, vector<2048x128xf32>
    %slice3A_103 = vector.extract_strided_slice %get3A_46 {offsets = [8, 0], sizes = [1, 128], strides = [1, 1]} : vector<32x128xi32> to vector<1x128xi32>
    %broadcast_in_dim3A_104 = vector.shape_cast %slice3A_103 : vector<1x128xi32> to vector<1x128xi32>
    %broadcast_in_dim3A_105 = vector.broadcast %broadcast_in_dim3A_104 : vector<1x128xi32> to vector<2048x128xi32>
    %select_n3A_106 = arith.select %lt3A_101, %broadcast_in_dim3A_105, %select_n3A_99 : vector<2048x128xi1>, vector<2048x128xi32>
    %slice3A_107 = vector.extract_strided_slice %dot_general3A_43 {offsets = [0, 1152], sizes = [2048, 128], strides = [1, 1]} : vector<2048x4096xf32> to vector<2048x128xf32>
    %lt3A_108 = arith.cmpf olt, %slice3A_107, %select_n3A_102 : vector<2048x128xf32>
    %select_n3A_109 = arith.select %lt3A_108, %slice3A_107, %select_n3A_102 : vector<2048x128xi1>, vector<2048x128xf32>
    %slice3A_110 = vector.extract_strided_slice %get3A_46 {offsets = [9, 0], sizes = [1, 128], strides = [1, 1]} : vector<32x128xi32> to vector<1x128xi32>
    %broadcast_in_dim3A_111 = vector.shape_cast %slice3A_110 : vector<1x128xi32> to vector<1x128xi32>
    %broadcast_in_dim3A_112 = vector.broadcast %broadcast_in_dim3A_111 : vector<1x128xi32> to vector<2048x128xi32>
    %select_n3A_113 = arith.select %lt3A_108, %broadcast_in_dim3A_112, %select_n3A_106 : vector<2048x128xi1>, vector<2048x128xi32>
    %slice3A_114 = vector.extract_strided_slice %dot_general3A_43 {offsets = [0, 1280], sizes = [2048, 128], strides = [1, 1]} : vector<2048x4096xf32> to vector<2048x128xf32>
    %lt3A_115 = arith.cmpf olt, %slice3A_114, %select_n3A_109 : vector<2048x128xf32>
    %select_n3A_116 = arith.select %lt3A_115, %slice3A_114, %select_n3A_109 : vector<2048x128xi1>, vector<2048x128xf32>
    %slice3A_117 = vector.extract_strided_slice %get3A_46 {offsets = [10, 0], sizes = [1, 128], strides = [1, 1]} : vector<32x128xi32> to vector<1x128xi32>
    %broadcast_in_dim3A_118 = vector.shape_cast %slice3A_117 : vector<1x128xi32> to vector<1x128xi32>
    %broadcast_in_dim3A_119 = vector.broadcast %broadcast_in_dim3A_118 : vector<1x128xi32> to vector<2048x128xi32>
    %select_n3A_120 = arith.select %lt3A_115, %broadcast_in_dim3A_119, %select_n3A_113 : vector<2048x128xi1>, vector<2048x128xi32>
    %slice3A_121 = vector.extract_strided_slice %dot_general3A_43 {offsets = [0, 1408], sizes = [2048, 128], strides = [1, 1]} : vector<2048x4096xf32> to vector<2048x128xf32>
    %lt3A_122 = arith.cmpf olt, %slice3A_121, %select_n3A_116 : vector<2048x128xf32>
    %select_n3A_123 = arith.select %lt3A_122, %slice3A_121, %select_n3A_116 : vector<2048x128xi1>, vector<2048x128xf32>
    %slice3A_124 = vector.extract_strided_slice %get3A_46 {offsets = [11, 0], sizes = [1, 128], strides = [1, 1]} : vector<32x128xi32> to vector<1x128xi32>
    %broadcast_in_dim3A_125 = vector.shape_cast %slice3A_124 : vector<1x128xi32> to vector<1x128xi32>
    %broadcast_in_dim3A_126 = vector.broadcast %broadcast_in_dim3A_125 : vector<1x128xi32> to vector<2048x128xi32>
    %select_n3A_127 = arith.select %lt3A_122, %broadcast_in_dim3A_126, %select_n3A_120 : vector<2048x128xi1>, vector<2048x128xi32>
    %slice3A_128 = vector.extract_strided_slice %dot_general3A_43 {offsets = [0, 1536], sizes = [2048, 128], strides = [1, 1]} : vector<2048x4096xf32> to vector<2048x128xf32>
    %lt3A_129 = arith.cmpf olt, %slice3A_128, %select_n3A_123 : vector<2048x128xf32>
    %select_n3A_130 = arith.select %lt3A_129, %slice3A_128, %select_n3A_123 : vector<2048x128xi1>, vector<2048x128xf32>
    %slice3A_131 = vector.extract_strided_slice %get3A_46 {offsets = [12, 0], sizes = [1, 128], strides = [1, 1]} : vector<32x128xi32> to vector<1x128xi32>
    %broadcast_in_dim3A_132 = vector.shape_cast %slice3A_131 : vector<1x128xi32> to vector<1x128xi32>
    %broadcast_in_dim3A_133 = vector.broadcast %broadcast_in_dim3A_132 : vector<1x128xi32> to vector<2048x128xi32>
    %select_n3A_134 = arith.select %lt3A_129, %broadcast_in_dim3A_133, %select_n3A_127 : vector<2048x128xi1>, vector<2048x128xi32>
    %slice3A_135 = vector.extract_strided_slice %dot_general3A_43 {offsets = [0, 1664], sizes = [2048, 128], strides = [1, 1]} : vector<2048x4096xf32> to vector<2048x128xf32>
    %lt3A_136 = arith.cmpf olt, %slice3A_135, %select_n3A_130 : vector<2048x128xf32>
    %select_n3A_137 = arith.select %lt3A_136, %slice3A_135, %select_n3A_130 : vector<2048x128xi1>, vector<2048x128xf32>
    %slice3A_138 = vector.extract_strided_slice %get3A_46 {offsets = [13, 0], sizes = [1, 128], strides = [1, 1]} : vector<32x128xi32> to vector<1x128xi32>
    %broadcast_in_dim3A_139 = vector.shape_cast %slice3A_138 : vector<1x128xi32> to vector<1x128xi32>
    %broadcast_in_dim3A_140 = vector.broadcast %broadcast_in_dim3A_139 : vector<1x128xi32> to vector<2048x128xi32>
    %select_n3A_141 = arith.select %lt3A_136, %broadcast_in_dim3A_140, %select_n3A_134 : vector<2048x128xi1>, vector<2048x128xi32>
    %slice3A_142 = vector.extract_strided_slice %dot_general3A_43 {offsets = [0, 1792], sizes = [2048, 128], strides = [1, 1]} : vector<2048x4096xf32> to vector<2048x128xf32>
    %lt3A_143 = arith.cmpf olt, %slice3A_142, %select_n3A_137 : vector<2048x128xf32>
    %select_n3A_144 = arith.select %lt3A_143, %slice3A_142, %select_n3A_137 : vector<2048x128xi1>, vector<2048x128xf32>
    %slice3A_145 = vector.extract_strided_slice %get3A_46 {offsets = [14, 0], sizes = [1, 128], strides = [1, 1]} : vector<32x128xi32> to vector<1x128xi32>
    %broadcast_in_dim3A_146 = vector.shape_cast %slice3A_145 : vector<1x128xi32> to vector<1x128xi32>
    %broadcast_in_dim3A_147 = vector.broadcast %broadcast_in_dim3A_146 : vector<1x128xi32> to vector<2048x128xi32>
    %select_n3A_148 = arith.select %lt3A_143, %broadcast_in_dim3A_147, %select_n3A_141 : vector<2048x128xi1>, vector<2048x128xi32>
    %slice3A_149 = vector.extract_strided_slice %dot_general3A_43 {offsets = [0, 1920], sizes = [2048, 128], strides = [1, 1]} : vector<2048x4096xf32> to vector<2048x128xf32>
    %lt3A_150 = arith.cmpf olt, %slice3A_149, %select_n3A_144 : vector<2048x128xf32>
    %select_n3A_151 = arith.select %lt3A_150, %slice3A_149, %select_n3A_144 : vector<2048x128xi1>, vector<2048x128xf32>
    %slice3A_152 = vector.extract_strided_slice %get3A_46 {offsets = [15, 0], sizes = [1, 128], strides = [1, 1]} : vector<32x128xi32> to vector<1x128xi32>
    %broadcast_in_dim3A_153 = vector.shape_cast %slice3A_152 : vector<1x128xi32> to vector<1x128xi32>
    %broadcast_in_dim3A_154 = vector.broadcast %broadcast_in_dim3A_153 : vector<1x128xi32> to vector<2048x128xi32>
    %select_n3A_155 = arith.select %lt3A_150, %broadcast_in_dim3A_154, %select_n3A_148 : vector<2048x128xi1>, vector<2048x128xi32>
    %slice3A_156 = vector.extract_strided_slice %dot_general3A_43 {offsets = [0, 2048], sizes = [2048, 128], strides = [1, 1]} : vector<2048x4096xf32> to vector<2048x128xf32>
    %lt3A_157 = arith.cmpf olt, %slice3A_156, %select_n3A_151 : vector<2048x128xf32>
    %select_n3A_158 = arith.select %lt3A_157, %slice3A_156, %select_n3A_151 : vector<2048x128xi1>, vector<2048x128xf32>
    %slice3A_159 = vector.extract_strided_slice %get3A_46 {offsets = [16, 0], sizes = [1, 128], strides = [1, 1]} : vector<32x128xi32> to vector<1x128xi32>
    %broadcast_in_dim3A_160 = vector.shape_cast %slice3A_159 : vector<1x128xi32> to vector<1x128xi32>
    %broadcast_in_dim3A_161 = vector.broadcast %broadcast_in_dim3A_160 : vector<1x128xi32> to vector<2048x128xi32>
    %select_n3A_162 = arith.select %lt3A_157, %broadcast_in_dim3A_161, %select_n3A_155 : vector<2048x128xi1>, vector<2048x128xi32>
    %slice3A_163 = vector.extract_strided_slice %dot_general3A_43 {offsets = [0, 2176], sizes = [2048, 128], strides = [1, 1]} : vector<2048x4096xf32> to vector<2048x128xf32>
    %lt3A_164 = arith.cmpf olt, %slice3A_163, %select_n3A_158 : vector<2048x128xf32>
    %select_n3A_165 = arith.select %lt3A_164, %slice3A_163, %select_n3A_158 : vector<2048x128xi1>, vector<2048x128xf32>
    %slice3A_166 = vector.extract_strided_slice %get3A_46 {offsets = [17, 0], sizes = [1, 128], strides = [1, 1]} : vector<32x128xi32> to vector<1x128xi32>
    %broadcast_in_dim3A_167 = vector.shape_cast %slice3A_166 : vector<1x128xi32> to vector<1x128xi32>
    %broadcast_in_dim3A_168 = vector.broadcast %broadcast_in_dim3A_167 : vector<1x128xi32> to vector<2048x128xi32>
    %select_n3A_169 = arith.select %lt3A_164, %broadcast_in_dim3A_168, %select_n3A_162 : vector<2048x128xi1>, vector<2048x128xi32>
    %slice3A_170 = vector.extract_strided_slice %dot_general3A_43 {offsets = [0, 2304], sizes = [2048, 128], strides = [1, 1]} : vector<2048x4096xf32> to vector<2048x128xf32>
    %lt3A_171 = arith.cmpf olt, %slice3A_170, %select_n3A_165 : vector<2048x128xf32>
    %select_n3A_172 = arith.select %lt3A_171, %slice3A_170, %select_n3A_165 : vector<2048x128xi1>, vector<2048x128xf32>
    %slice3A_173 = vector.extract_strided_slice %get3A_46 {offsets = [18, 0], sizes = [1, 128], strides = [1, 1]} : vector<32x128xi32> to vector<1x128xi32>
    %broadcast_in_dim3A_174 = vector.shape_cast %slice3A_173 : vector<1x128xi32> to vector<1x128xi32>
    %broadcast_in_dim3A_175 = vector.broadcast %broadcast_in_dim3A_174 : vector<1x128xi32> to vector<2048x128xi32>
    %select_n3A_176 = arith.select %lt3A_171, %broadcast_in_dim3A_175, %select_n3A_169 : vector<2048x128xi1>, vector<2048x128xi32>
    %slice3A_177 = vector.extract_strided_slice %dot_general3A_43 {offsets = [0, 2432], sizes = [2048, 128], strides = [1, 1]} : vector<2048x4096xf32> to vector<2048x128xf32>
    %lt3A_178 = arith.cmpf olt, %slice3A_177, %select_n3A_172 : vector<2048x128xf32>
    %select_n3A_179 = arith.select %lt3A_178, %slice3A_177, %select_n3A_172 : vector<2048x128xi1>, vector<2048x128xf32>
    %slice3A_180 = vector.extract_strided_slice %get3A_46 {offsets = [19, 0], sizes = [1, 128], strides = [1, 1]} : vector<32x128xi32> to vector<1x128xi32>
    %broadcast_in_dim3A_181 = vector.shape_cast %slice3A_180 : vector<1x128xi32> to vector<1x128xi32>
    %broadcast_in_dim3A_182 = vector.broadcast %broadcast_in_dim3A_181 : vector<1x128xi32> to vector<2048x128xi32>
    %select_n3A_183 = arith.select %lt3A_178, %broadcast_in_dim3A_182, %select_n3A_176 : vector<2048x128xi1>, vector<2048x128xi32>
    %slice3A_184 = vector.extract_strided_slice %dot_general3A_43 {offsets = [0, 2560], sizes = [2048, 128], strides = [1, 1]} : vector<2048x4096xf32> to vector<2048x128xf32>
    %lt3A_185 = arith.cmpf olt, %slice3A_184, %select_n3A_179 : vector<2048x128xf32>
    %select_n3A_186 = arith.select %lt3A_185, %slice3A_184, %select_n3A_179 : vector<2048x128xi1>, vector<2048x128xf32>
    %slice3A_187 = vector.extract_strided_slice %get3A_46 {offsets = [20, 0], sizes = [1, 128], strides = [1, 1]} : vector<32x128xi32> to vector<1x128xi32>
    %broadcast_in_dim3A_188 = vector.shape_cast %slice3A_187 : vector<1x128xi32> to vector<1x128xi32>
    %broadcast_in_dim3A_189 = vector.broadcast %broadcast_in_dim3A_188 : vector<1x128xi32> to vector<2048x128xi32>
    %select_n3A_190 = arith.select %lt3A_185, %broadcast_in_dim3A_189, %select_n3A_183 : vector<2048x128xi1>, vector<2048x128xi32>
    %slice3A_191 = vector.extract_strided_slice %dot_general3A_43 {offsets = [0, 2688], sizes = [2048, 128], strides = [1, 1]} : vector<2048x4096xf32> to vector<2048x128xf32>
    %lt3A_192 = arith.cmpf olt, %slice3A_191, %select_n3A_186 : vector<2048x128xf32>
    %select_n3A_193 = arith.select %lt3A_192, %slice3A_191, %select_n3A_186 : vector<2048x128xi1>, vector<2048x128xf32>
    %slice3A_194 = vector.extract_strided_slice %get3A_46 {offsets = [21, 0], sizes = [1, 128], strides = [1, 1]} : vector<32x128xi32> to vector<1x128xi32>
    %broadcast_in_dim3A_195 = vector.shape_cast %slice3A_194 : vector<1x128xi32> to vector<1x128xi32>
    %broadcast_in_dim3A_196 = vector.broadcast %broadcast_in_dim3A_195 : vector<1x128xi32> to vector<2048x128xi32>
    %select_n3A_197 = arith.select %lt3A_192, %broadcast_in_dim3A_196, %select_n3A_190 : vector<2048x128xi1>, vector<2048x128xi32>
    %slice3A_198 = vector.extract_strided_slice %dot_general3A_43 {offsets = [0, 2816], sizes = [2048, 128], strides = [1, 1]} : vector<2048x4096xf32> to vector<2048x128xf32>
    %lt3A_199 = arith.cmpf olt, %slice3A_198, %select_n3A_193 : vector<2048x128xf32>
    %select_n3A_200 = arith.select %lt3A_199, %slice3A_198, %select_n3A_193 : vector<2048x128xi1>, vector<2048x128xf32>
    %slice3A_201 = vector.extract_strided_slice %get3A_46 {offsets = [22, 0], sizes = [1, 128], strides = [1, 1]} : vector<32x128xi32> to vector<1x128xi32>
    %broadcast_in_dim3A_202 = vector.shape_cast %slice3A_201 : vector<1x128xi32> to vector<1x128xi32>
    %broadcast_in_dim3A_203 = vector.broadcast %broadcast_in_dim3A_202 : vector<1x128xi32> to vector<2048x128xi32>
    %select_n3A_204 = arith.select %lt3A_199, %broadcast_in_dim3A_203, %select_n3A_197 : vector<2048x128xi1>, vector<2048x128xi32>
    %slice3A_205 = vector.extract_strided_slice %dot_general3A_43 {offsets = [0, 2944], sizes = [2048, 128], strides = [1, 1]} : vector<2048x4096xf32> to vector<2048x128xf32>
    %lt3A_206 = arith.cmpf olt, %slice3A_205, %select_n3A_200 : vector<2048x128xf32>
    %select_n3A_207 = arith.select %lt3A_206, %slice3A_205, %select_n3A_200 : vector<2048x128xi1>, vector<2048x128xf32>
    %slice3A_208 = vector.extract_strided_slice %get3A_46 {offsets = [23, 0], sizes = [1, 128], strides = [1, 1]} : vector<32x128xi32> to vector<1x128xi32>
    %broadcast_in_dim3A_209 = vector.shape_cast %slice3A_208 : vector<1x128xi32> to vector<1x128xi32>
    %broadcast_in_dim3A_210 = vector.broadcast %broadcast_in_dim3A_209 : vector<1x128xi32> to vector<2048x128xi32>
    %select_n3A_211 = arith.select %lt3A_206, %broadcast_in_dim3A_210, %select_n3A_204 : vector<2048x128xi1>, vector<2048x128xi32>
    %slice3A_212 = vector.extract_strided_slice %dot_general3A_43 {offsets = [0, 3072], sizes = [2048, 128], strides = [1, 1]} : vector<2048x4096xf32> to vector<2048x128xf32>
    %lt3A_213 = arith.cmpf olt, %slice3A_212, %select_n3A_207 : vector<2048x128xf32>
    %select_n3A_214 = arith.select %lt3A_213, %slice3A_212, %select_n3A_207 : vector<2048x128xi1>, vector<2048x128xf32>
    %slice3A_215 = vector.extract_strided_slice %get3A_46 {offsets = [24, 0], sizes = [1, 128], strides = [1, 1]} : vector<32x128xi32> to vector<1x128xi32>
    %broadcast_in_dim3A_216 = vector.shape_cast %slice3A_215 : vector<1x128xi32> to vector<1x128xi32>
    %broadcast_in_dim3A_217 = vector.broadcast %broadcast_in_dim3A_216 : vector<1x128xi32> to vector<2048x128xi32>
    %select_n3A_218 = arith.select %lt3A_213, %broadcast_in_dim3A_217, %select_n3A_211 : vector<2048x128xi1>, vector<2048x128xi32>
    %slice3A_219 = vector.extract_strided_slice %dot_general3A_43 {offsets = [0, 3200], sizes = [2048, 128], strides = [1, 1]} : vector<2048x4096xf32> to vector<2048x128xf32>
    %lt3A_220 = arith.cmpf olt, %slice3A_219, %select_n3A_214 : vector<2048x128xf32>
    %select_n3A_221 = arith.select %lt3A_220, %slice3A_219, %select_n3A_214 : vector<2048x128xi1>, vector<2048x128xf32>
    %slice3A_222 = vector.extract_strided_slice %get3A_46 {offsets = [25, 0], sizes = [1, 128], strides = [1, 1]} : vector<32x128xi32> to vector<1x128xi32>
    %broadcast_in_dim3A_223 = vector.shape_cast %slice3A_222 : vector<1x128xi32> to vector<1x128xi32>
    %broadcast_in_dim3A_224 = vector.broadcast %broadcast_in_dim3A_223 : vector<1x128xi32> to vector<2048x128xi32>
    %select_n3A_225 = arith.select %lt3A_220, %broadcast_in_dim3A_224, %select_n3A_218 : vector<2048x128xi1>, vector<2048x128xi32>
    %slice3A_226 = vector.extract_strided_slice %dot_general3A_43 {offsets = [0, 3328], sizes = [2048, 128], strides = [1, 1]} : vector<2048x4096xf32> to vector<2048x128xf32>
    %lt3A_227 = arith.cmpf olt, %slice3A_226, %select_n3A_221 : vector<2048x128xf32>
    %select_n3A_228 = arith.select %lt3A_227, %slice3A_226, %select_n3A_221 : vector<2048x128xi1>, vector<2048x128xf32>
    %slice3A_229 = vector.extract_strided_slice %get3A_46 {offsets = [26, 0], sizes = [1, 128], strides = [1, 1]} : vector<32x128xi32> to vector<1x128xi32>
    %broadcast_in_dim3A_230 = vector.shape_cast %slice3A_229 : vector<1x128xi32> to vector<1x128xi32>
    %broadcast_in_dim3A_231 = vector.broadcast %broadcast_in_dim3A_230 : vector<1x128xi32> to vector<2048x128xi32>
    %select_n3A_232 = arith.select %lt3A_227, %broadcast_in_dim3A_231, %select_n3A_225 : vector<2048x128xi1>, vector<2048x128xi32>
    %slice3A_233 = vector.extract_strided_slice %dot_general3A_43 {offsets = [0, 3456], sizes = [2048, 128], strides = [1, 1]} : vector<2048x4096xf32> to vector<2048x128xf32>
    %lt3A_234 = arith.cmpf olt, %slice3A_233, %select_n3A_228 : vector<2048x128xf32>
    %select_n3A_235 = arith.select %lt3A_234, %slice3A_233, %select_n3A_228 : vector<2048x128xi1>, vector<2048x128xf32>
    %slice3A_236 = vector.extract_strided_slice %get3A_46 {offsets = [27, 0], sizes = [1, 128], strides = [1, 1]} : vector<32x128xi32> to vector<1x128xi32>
    %broadcast_in_dim3A_237 = vector.shape_cast %slice3A_236 : vector<1x128xi32> to vector<1x128xi32>
    %broadcast_in_dim3A_238 = vector.broadcast %broadcast_in_dim3A_237 : vector<1x128xi32> to vector<2048x128xi32>
    %select_n3A_239 = arith.select %lt3A_234, %broadcast_in_dim3A_238, %select_n3A_232 : vector<2048x128xi1>, vector<2048x128xi32>
    %slice3A_240 = vector.extract_strided_slice %dot_general3A_43 {offsets = [0, 3584], sizes = [2048, 128], strides = [1, 1]} : vector<2048x4096xf32> to vector<2048x128xf32>
    %lt3A_241 = arith.cmpf olt, %slice3A_240, %select_n3A_235 : vector<2048x128xf32>
    %select_n3A_242 = arith.select %lt3A_241, %slice3A_240, %select_n3A_235 : vector<2048x128xi1>, vector<2048x128xf32>
    %slice3A_243 = vector.extract_strided_slice %get3A_46 {offsets = [28, 0], sizes = [1, 128], strides = [1, 1]} : vector<32x128xi32> to vector<1x128xi32>
    %broadcast_in_dim3A_244 = vector.shape_cast %slice3A_243 : vector<1x128xi32> to vector<1x128xi32>
    %broadcast_in_dim3A_245 = vector.broadcast %broadcast_in_dim3A_244 : vector<1x128xi32> to vector<2048x128xi32>
    %select_n3A_246 = arith.select %lt3A_241, %broadcast_in_dim3A_245, %select_n3A_239 : vector<2048x128xi1>, vector<2048x128xi32>
    %slice3A_247 = vector.extract_strided_slice %dot_general3A_43 {offsets = [0, 3712], sizes = [2048, 128], strides = [1, 1]} : vector<2048x4096xf32> to vector<2048x128xf32>
    %lt3A_248 = arith.cmpf olt, %slice3A_247, %select_n3A_242 : vector<2048x128xf32>
    %select_n3A_249 = arith.select %lt3A_248, %slice3A_247, %select_n3A_242 : vector<2048x128xi1>, vector<2048x128xf32>
    %slice3A_250 = vector.extract_strided_slice %get3A_46 {offsets = [29, 0], sizes = [1, 128], strides = [1, 1]} : vector<32x128xi32> to vector<1x128xi32>
    %broadcast_in_dim3A_251 = vector.shape_cast %slice3A_250 : vector<1x128xi32> to vector<1x128xi32>
    %broadcast_in_dim3A_252 = vector.broadcast %broadcast_in_dim3A_251 : vector<1x128xi32> to vector<2048x128xi32>
    %select_n3A_253 = arith.select %lt3A_248, %broadcast_in_dim3A_252, %select_n3A_246 : vector<2048x128xi1>, vector<2048x128xi32>
    %slice3A_254 = vector.extract_strided_slice %dot_general3A_43 {offsets = [0, 3840], sizes = [2048, 128], strides = [1, 1]} : vector<2048x4096xf32> to vector<2048x128xf32>
    %lt3A_255 = arith.cmpf olt, %slice3A_254, %select_n3A_249 : vector<2048x128xf32>
    %select_n3A_256 = arith.select %lt3A_255, %slice3A_254, %select_n3A_249 : vector<2048x128xi1>, vector<2048x128xf32>
    %slice3A_257 = vector.extract_strided_slice %get3A_46 {offsets = [30, 0], sizes = [1, 128], strides = [1, 1]} : vector<32x128xi32> to vector<1x128xi32>
    %broadcast_in_dim3A_258 = vector.shape_cast %slice3A_257 : vector<1x128xi32> to vector<1x128xi32>
    %broadcast_in_dim3A_259 = vector.broadcast %broadcast_in_dim3A_258 : vector<1x128xi32> to vector<2048x128xi32>
    %select_n3A_260 = arith.select %lt3A_255, %broadcast_in_dim3A_259, %select_n3A_253 : vector<2048x128xi1>, vector<2048x128xi32>
    %slice3A_261 = vector.extract_strided_slice %dot_general3A_43 {offsets = [0, 3968], sizes = [2048, 128], strides = [1, 1]} : vector<2048x4096xf32> to vector<2048x128xf32>
    %lt3A_262 = arith.cmpf olt, %slice3A_261, %select_n3A_256 : vector<2048x128xf32>
    %select_n3A_263 = arith.select %lt3A_262, %slice3A_261, %select_n3A_256 : vector<2048x128xi1>, vector<2048x128xf32>
    %slice3A_264 = vector.extract_strided_slice %get3A_46 {offsets = [31, 0], sizes = [1, 128], strides = [1, 1]} : vector<32x128xi32> to vector<1x128xi32>
    %broadcast_in_dim3A_265 = vector.shape_cast %slice3A_264 : vector<1x128xi32> to vector<1x128xi32>
    %broadcast_in_dim3A_266 = vector.broadcast %broadcast_in_dim3A_265 : vector<1x128xi32> to vector<2048x128xi32>
    %select_n3A_267 = arith.select %lt3A_262, %broadcast_in_dim3A_266, %select_n3A_260 : vector<2048x128xi1>, vector<2048x128xi32>
    %reduce_min3A = arith.constant dense<0x7F800000> : vector<2048xf32>
    %reduce_min3A_268 = vector.multi_reduction <minimumf>, %select_n3A_263, %reduce_min3A [1] : vector<2048x128xf32> to vector<2048xf32>
    %broadcast_in_dim3A_269 = vector.shape_cast %reduce_min3A_268 : vector<2048xf32> to vector<2048x1xf32>
    %mul3A_270 = arith.constant 2.000000e+00 : f32
    %mul3A_271 = vector.broadcast %mul3A_270 : f32 to vector<2048x1xf32>
    %mul3A_272 = arith.mulf %mul3A_271, %broadcast_in_dim3A_269 : vector<2048x1xf32>
    %add3A = arith.constant 1.000000e+00 : f32
    %add3A_273 = vector.broadcast %add3A : f32 to vector<2048x1xf32>
    %add3A_274 = arith.addf %add3A_273, %mul3A_272 : vector<2048x1xf32>
    %max3A = arith.constant 9.99999996E-13 : f32
    %max3A_275 = vector.broadcast %max3A : f32 to vector<2048x1xf32>
    %max3A_276 = arith.maximumf %add3A_274, %max3A_275 : vector<2048x1xf32>
    %sqrt3A_277 = math.sqrt %max3A_276 : vector<2048x1xf32>
    %eq3A_278 = vector.broadcast %broadcast_in_dim3A_269 : vector<2048x1xf32> to vector<2048x128xf32>
    %eq3A_279 = arith.cmpf oeq, %select_n3A_263, %eq3A_278 : vector<2048x128xf32>
    %jit3A_280 = arith.constant 4096 : i32
    %broadcast_in_dim3A_281 = vector.broadcast %jit3A_280 : i32 to vector<2048x128xi32>
    %select_n3A_282 = arith.select %eq3A_279, %select_n3A_267, %broadcast_in_dim3A_281 : vector<2048x128xi1>, vector<2048x128xi32>
    %reduce_min3A_283 = arith.constant dense<2147483647> : vector<2048xi32>
    %reduce_min3A_284 = vector.multi_reduction <minsi>, %select_n3A_282, %reduce_min3A_283 [1] : vector<2048x128xi32> to vector<2048xi32>
    %broadcast_in_dim3A_285 = vector.shape_cast %reduce_min3A_284 : vector<2048xi32> to vector<2048x1xi32>
    %jit3A_286 = arith.constant 4095 : i32
    %broadcast_in_dim3A_287 = vector.broadcast %jit3A_286 : i32 to vector<2048x1xi32>
    %select_n3A_288 = arith.select %gt3A_10, %broadcast_in_dim3A_285, %broadcast_in_dim3A_287 : vector<2048x1xi1>, vector<2048x1xi32>
    %swap3A = arith.constant 0 : index
    %swap3A_289 = arith.constant 0 : index
    %swap3A_290 = vector.load %arg7[%swap3A, %swap3A_289] : memref<2048x1xi32, #tpu.memory_space<vmem>>, vector<2048x1xi32>
    tpu.vector_store %arg7[%swap3A, %swap3A_289], %select_n3A_288 {strides = array<i32>} : memref<2048x1xi32, #tpu.memory_space<vmem>>, vector<2048x1xi32>,
    %jit3A_291 = arith.constant 0.000000e+00 : f32
    %broadcast_in_dim3A_292 = vector.broadcast %jit3A_291 : f32 to vector<2048x1xf32>
    %select_n3A_293 = arith.select %gt3A_10, %sqrt3A_277, %broadcast_in_dim3A_292 : vector<2048x1xi1>, vector<2048x1xf32>
    %swap3A_294 = arith.constant 0 : index
    %swap3A_295 = arith.constant 0 : index
    %swap3A_296 = vector.load %arg8[%swap3A_294, %swap3A_295] : memref<2048x1xf32, #tpu.memory_space<vmem>>, vector<2048x1xf32>
    tpu.vector_store %arg8[%swap3A_294, %swap3A_295], %select_n3A_293 {strides = array<i32>} : memref<2048x1xf32, #tpu.memory_space<vmem>>, vector<2048x1xf32>,
    return
  }
  func.func @transform_0(%arg0: i32) -> (i32, i32) {
    %c0_i32 = arith.constant 0 : i32
    %c0_i32_0 = arith.constant 0 : i32
    return %arg0, %c0_i32 : i32, i32
  }
  func.func @transform_1(%arg0: i32) -> (i32, i32) {
    %c0_i32 = arith.constant 0 : i32
    %c0_i32_0 = arith.constant 0 : i32
    %c0_i32_1 = arith.constant 0 : i32
    return %c0_i32, %c0_i32_0 : i32, i32
  }
  func.func @transform_2(%arg0: i32) -> (i32, i32) {
    %c0_i32 = arith.constant 0 : i32
    %c0_i32_0 = arith.constant 0 : i32
    %c0_i32_1 = arith.constant 0 : i32
    return %c0_i32, %c0_i32_0 : i32, i32
  }
  func.func @transform_3(%arg0: i32) -> (i32, i32) {
    %c0_i32 = arith.constant 0 : i32
    %c0_i32_0 = arith.constant 0 : i32
    %c0_i32_1 = arith.constant 0 : i32
    return %c0_i32, %c0_i32_0 : i32, i32
  }
  func.func @transform_4(%arg0: i32) -> (i32, i32) {
    %c0_i32 = arith.constant 0 : i32
    %c0_i32_0 = arith.constant 0 : i32
    %c0_i32_1 = arith.constant 0 : i32
    return %c0_i32, %c0_i32_0 : i32, i32
  }
  func.func @transform_5(%arg0: i32) -> (i32, i32) {
    %c0_i32 = arith.constant 0 : i32
    %c0_i32_0 = arith.constant 0 : i32
    %c0_i32_1 = arith.constant 0 : i32
    return %c0_i32, %c0_i32_0 : i32, i32
  }
  func.func @transform_6(%arg0: i32) -> (i32, i32) {
    %c0_i32 = arith.constant 0 : i32
    %c0_i32_0 = arith.constant 0 : i32
    return %arg0, %c0_i32 : i32, i32
  }
  func.func @transform_7(%arg0: i32) -> (i32, i32) {
    %c0_i32 = arith.constant 0 : i32
    %c0_i32_0 = arith.constant 0 : i32
    return %arg0, %c0_i32 : i32, i32
  }
}

</mosaic_0001>

<sc_bundles>
// kernel: kernel.4.cloned.1.call-start
scs
__scs_entry_jumppad:
0x0: {  	(pc) =	sbr.rel $0x88, $3  }
0x1: {  	(tag) =	ssettag $0x0;
	lr =	simm.s32 $0x1  }
0x2: {  	[smem:$0x3F9C] =	sst lr;
	_ =	strace $0xD0000000  }
0x3: {  	_ = 	snop  }
0x4: {  	_ = 	snop  }
0x5: {  	_ = 	snop  }
0x6: {  	_ = 	snop  }
0x7: {  	_ = 	snop  }
__scs_overlays_trampoline_lowered:
0x8: {  	[smem:$0x3FAB] =	sst s0  }
0x9: {  	[smem:$0x3FAC] =	sst s1  }
0xa: {  	[smem:$0x3FAD] =	sst s2  }
0xb: {  	[smem:$0x3FAE] =	sst s3  }
0xc: {  	[smem:$0x3FAF] =	sst s4  }
0xd: {  	[smem:$0x3FB0] =	sst s5  }
0xe: {  	[smem:$0x3FB1] =	sst s6  }
0xf: {  	[smem:$0x3FB2] =	sst s7  }
0x10: {  	[smem:$0x3FB3] =	sst s8  }
0x11: {  	[smem:$0x3FB4] =	sst s9;
	s0 =	simm.s32 @!p0 $0x0  }
0x12: {  	s1 =	sld [smem:$0x3F9A];
	s0 =	simm.s32 @p0 $0x1  }
0x13: {  	[smem:$0x3FB5] =	sst s0;
	s0 =	simm.s32 @!p1 $0x0  }
0x14: {  	s2 =	sld [smem:$0x3F99];
	s0 =	simm.s32 @p1 $0x1  }
0x15: {  	[smem:$0x3FB6] =	sst s0;
	s0 =	simm.s32 @!p2 $0x0  }
0x16: {  	s3 =	sld [smem:$0x3FDB];
	s0 =	simm.s32 @p2 $0x1  }
0x17: {  	s4 =	simm.s32 $0x1BF5;
	[smem:$0x3FB8] =	sst s0  }
0x18: {  	s0 =	sld [smem:$0x3F9B];
	_ =	swait.ge [sflag:s4], $0x0  }
0x19: {  	s7 =	sld [smem:$0x3F9C]  }
0x1a: {  	s8 =	sadd.s32 $0xFFFFE003, lr  }
0x1b: {  	s9 =	sadd.s32 $0xFFFFFEF7, lr;
	s5 =	simm.s32 $0xFFFFFFFF;
	p2 =	slt.u32 s8, $0xFFFFF086  }
0x1c: {  	p1 =	slt.u32 s9, $0xF7A;
	s5 =	simm.s32 @!p2 $0x0  }
0x1d: {  	s5 =	simm.s32 @p1 $0x1;
	p0 =	seq.s32 s7, s2  }
0x1e: {  	s7 =	smul.u32 @!p0 $0xF7A, s2;
	p2 =	seq.s32 @!p0 s5, $0x0  }
0x1f: {  	s9 =	smul.u32 $0xF7A, s1;
	s8 =	simm.s32 @!p0 $0x1BF5;
	p2 =	por !p2, p0  }
0x20: {  	[sflag:s8] =	ssyncset.s32 @!p0 $0xFFFFF086;
	s6 =	sadd.s32 @!p0 s3, s7;
	s7 =	simm.s32 @!p0 $0x108  }
0x21: {  	s3 =	sadd.s32 s3, s9;
	s6 =	sadd.s32 @!p0 $0x88, s6;
	s7 =	simm.s32 @p2 $0x1082  }
0x22: {  	[simem:s7], [sflag:s8] =	dma.local @!p0 [hbm:s6], $0xF7A  }
0x23: {  	s9 =	sor.u32 $0xD0000000, s2;
	s6 =	simm.s32 $0x108;
	_ =	swait.ge @!p0 [sflag:s8], $0x0  }
0x24: {  	s3 =	sadd.s32 $0x88, s3;
	s6 =	simm.s32 @!p1 $0x1082;
	[sflag:s4] =	ssyncset.s32 $0xFFFFF086  }
0x25: {  	[simem:s6], [sflag:s4] =	dma.local [hbm:s3], $0xF7A  }
0x26: {  	[smem:$0x3F9C] =	sst s1;
	(tag) =	ssettag s2;
	_ =	strace s9  }
0x27: {  	s1 =	sld [smem:$0x3FAC]  }
0x28: {  	s2 =	sld [smem:$0x3FAD]  }
0x29: {  	s4 =	sld [smem:$0x3FAF]  }
0x2a: {  	p0 =	seq.s32 s5, $0x0;
	s5 =	sld [smem:$0x3FB0]  }
0x2b: {  	s6 =	sld [smem:$0x3FB1]  }
0x2c: {  	s7 =	sld [smem:$0x3FB2]  }
0x2d: {  	s3 =	simm.s32 $0x108;
	s8 =	sld [smem:$0x3FB3]  }
0x2e: {  	s3 =	simm.s32 @!p0 $0x1082;
	s9 =	sld [smem:$0x3FB4]  }
0x2f: {  	lr =	sadd.s32 s0, s3;
	s0 =	sld [smem:$0x3FAB]  }
0x30: {  	s3 =	sld [smem:$0x3FAE]  }
0x31: {  	[smem:$0x3FB7] =	sst s10  }
0x32: {  	s10 =	sld [smem:$0x3FB5];
	_ =	sdelay $0x3  }
0x33: {  	p0 =	seq.s32 s10, $0x1;
	s10 =	sld [smem:$0x3FB7];
	_ =	sdelay $0x3  }
0x34: {  	[smem:$0x3FB7] =	sst s10  }
0x35: {  	s10 =	sld [smem:$0x3FB6];
	_ =	sdelay $0x3  }
0x36: {  	p1 =	seq.s32 s10, $0x1;
	s10 =	sld [smem:$0x3FB7];
	_ =	sdelay $0x3  }
0x37: {  	[smem:$0x3FB7] =	sst s10  }
0x38: {  	s10 =	sld [smem:$0x3FB8]  }
0x39: {  	_ = 	snop;
	(pc) =	sbr.ind lr, $3  }
0x3a: {  	_ = 	snop  }
0x3b: {  	_ = 	snop  }
0x3c: {  	p2 =	seq.s32 s10, $0x1;
	s10 =	sld [smem:$0x3FB7]  }
0x3d: {  	_ =	shalt  }
0x3e: {  	_ =	shalt  }
0x3f: {  	_ =	shalt  }
0x40: {  	_ =	shalt  }
0x41: {  	_ =	shalt  }
0x42: {  	_ =	shalt  }
0x43: {  	_ =	shalt  }
0x44: {  	_ =	shalt  }
0x45: {  	_ =	shalt  }
0x46: {  	_ =	shalt  }
0x47: {  	_ =	shalt  }
0x48: {  	_ =	shalt  }
0x49: {  	_ =	shalt  }
0x4a: {  	_ =	shalt  }
0x4b: {  	_ =	shalt  }
0x4c: {  	_ =	shalt  }
0x4d: {  	_ =	shalt  }
0x4e: {  	_ =	shalt  }
0x4f: {  	_ =	shalt  }
0x50: {  	_ =	shalt  }
0x51: {  	_ =	shalt  }
0x52: {  	_ =	shalt  }
0x53: {  	_ =	shalt  }
0x54: {  	_ =	shalt  }
0x55: {  	_ =	shalt  }
0x56: {  	_ =	shalt  }
0x57: {  	_ =	shalt  }
0x58: {  	_ =	shalt  }
0x59: {  	_ =	shalt  }
0x5a: {  	_ =	shalt  }
0x5b: {  	_ =	shalt  }
0x5c: {  	_ =	shalt  }
0x5d: {  	_ =	shalt  }
0x5e: {  	_ =	shalt  }
0x5f: {  	_ =	shalt  }
0x60: {  	_ =	shalt  }
0x61: {  	_ =	shalt  }
0x62: {  	_ =	shalt  }
0x63: {  	_ =	shalt  }
0x64: {  	_ =	shalt  }
0x65: {  	_ =	shalt  }
0x66: {  	_ =	shalt  }
0x67: {  	_ =	shalt  }
0x68: {  	_ =	shalt  }
0x69: {  	_ =	shalt  }
0x6a: {  	_ =	shalt  }
0x6b: {  	_ =	shalt  }
0x6c: {  	_ =	shalt  }
0x6d: {  	_ =	shalt  }
0x6e: {  	_ =	shalt  }
0x6f: {  	_ =	shalt  }
0x70: {  	_ =	shalt  }
0x71: {  	_ =	shalt  }
0x72: {  	_ =	shalt  }
0x73: {  	_ =	shalt  }
0x74: {  	_ =	shalt  }
0x75: {  	_ =	shalt  }
0x76: {  	_ =	shalt  }
0x77: {  	_ =	shalt  }
0x78: {  	_ =	shalt  }
0x79: {  	_ =	shalt  }
0x7a: {  	_ =	shalt  }
0x7b: {  	_ =	shalt  }
0x7c: {  	_ =	shalt  }
0x7d: {  	_ =	shalt  }
0x7e: {  	_ =	shalt  }
0x7f: {  	_ =	shalt  }
0x80: {  	_ =	shalt  }
0x81: {  	_ =	shalt  }
0x82: {  	_ =	shalt  }
0x83: {  	_ =	shalt  }
0x84: {  	_ =	shalt  }
0x85: {  	_ =	shalt  }
0x86: {  	_ =	shalt  }
0x87: {  	_ =	shalt  }
.Lfunc_end0:
.L_simem_size_0:
called_computation_lowered:
.L_overlay_start_0:
0x88: {  	s2 =	sld [smem:$0x3FD9]  }
0x89: {  	s3 =	sld [smem:$0x3FFE];
	_ =	sdelay $0x1  }
0x8a: {  	s1 =	srdreg.scid  }
0x8b: {  	s0 =	sand.u32 $0x1, s1  }
0x8c: {  	s17 =	sshll.u32 s0, $0xA;
	s2 =	sadd.s32 s3, s2  }
0x8d: {  	s2 =	sadd.s32 s2, s17  }
0x8e: {  	[smem:$0x3FC3] =	sst s2  }
0x8f: {  	_ = 	snop  }
0x90: {  	s2 =	sld [smem:$0x3FD0];
	(tm) =	ssettm $0x1  }
0x91: {  	s18 =	sld [smem:$0x3FFB];
	_ =	sdelay $0x3  }
0x92: {  	_ =	strace s18  }
0x93: {  	s3 =	sld [smem:$0x3FFC];
	_ =	sdelay $0x3  }
0x94: {  	_ =	strace s3  }
0x95: {  	s3 =	sld [smem:$0x3FFD];
	_ =	sdelay $0x3  }
0x96: {  	_ =	strace s3  }
0x97: {  	_ =	strace $0x8FFFFFFF  }
0x98: {  	s19 =	sld [smem:$0x3FDB];
	_ =	sdelay $0x1  }
0x99: {  	s4 =	simm.s32 $_scs_section_size  }
0x9a: {  	s5 =	simm.s32 $_size__tile_overlayer_lowered;
	s6 =	simm.s32 $_tile_overlayer_lowered  }
0x9b: {  	s22 =	simm.s32 $0x1BFF;
	s21 =	sshll.u32 s6, $0x1;
	s3 =	sadd.s32 s4, s19  }
0x9c: {  	s7 =	simm.s32 $0x0;
	s20 =	sshll.u32 s5, $0x1;
	s5 =	sadd.s32 s21, s3  }
0x9d: {  	[timem:s7], [sflag:s22] =	dma.local [hbm:s5], s20  }
0x9e: {  	_ =	swait.ge [sflag:s22], s20  }
0x9f: {  	s4 =	ssub.s32 $0x0, s20;
	[sflag:s22] =	ssyncset.done $0x0  }
0xa0: {  	[sflag:s22] =	ssyncadd.s32 s4;
	_ =	sdelay $0x1  }
0xa1: {  	s23 =	simm.s32 $0x1B8B  }
0xa2: {  	_ =	swait.ge [sflag:s23], $0x1  }
0xa3: {  	[sflag:s23] =	ssyncset.done $0x0  }
0xa4: {  	s25 =	simm.s32 $0x1B8E;
	s24 =	sld [smem:$0x3FFE];
	[sflag:s23] =	ssyncadd.s32 $0xFFFFFFFF  }
0xa5: {  	s26 =	simm.s32 $execute0_lowered;
	[smem:$0x3FD2] =	sst s25  }
0xa6: {  	s5 =	sshll.u32 s26, $0x1;
	_ =	strace $0x80000046;
	[dreg:$0x1] =	wrdreg $0xFFFFFFFF  }
0xa7: {  	s28 =	simm.s32 $_size_execute0_lowered;
	s3 =	sadd.s32 s3, s5;
	[dreg:$0x0] =	wrdreg $0x0  }
0xa8: {  	s5 =	sshll.u32 s28, $0x1;
	[dreg:$0x2] =	wrdreg s3  }
0xa9: {  	[dreg:$0x3] =	wrdreg s5  }
0xaa: {  	[dreg:$0x4] =	wrdreg $0xC0  }
0xab: {  	_ =	task [dreg:s7], $0x5FFFF  }
0xac: {  	[dreg:$0x1] =	wrdreg $0xFFFFFFFF  }
0xad: {  	[dreg:$0x0] =	wrdreg $0x60  }
0xae: {  	[dreg:$0x2] =	wrdreg s2  }
0xaf: {  	[dreg:$0x3] =	wrdreg s24  }
0xb0: {  	[dreg:$0x4] =	wrdreg $0x9  }
0xb1: {  	_ =	task.clear_ibuf [dreg:s7], $0x5FFFF;
	_ =	strace $0x90000046  }
0xb2: {  	s29 =	simm.s32 $0x9;
	_ =	strace $0x80000048  }
0xb3: {  	_ =	swait.ge [sflag:s29], $0x1  }
0xb4: {  	[sflag:s29] =	ssyncadd.s32 $0xFFFFFFFF  }
0xb5: {  	_ =	strace $0x90000048  }
0xb6: {  	_ =	sfence  }
0xb7: {  	s30 =	sld [smem:$0x0];
	_ =	sdelay $0x2  }
0xb8: {  	s31 =	sshll.u32 s1, $0xD;
	s1 =	sshrl.u32 s1, $0x2  }
0xb9: {  	s3 =	sand.u32 $0x4000, s31;
	s1 =	sadd.s32 s1, s30  }
0xba: {  	s0 =	sor.u32 s3, s0;
	s1 =	sshll.u32 s1, $0x11  }
0xbb: {  	s0 =	sor.u32 s1, s0  }
0xbc: {  	s0 =	sadd.s32 $0x8F2B, s0  }
0xbd: {  	[sflag:s0] =	ssyncadd.remote.s32 $0x1  }
0xbe: {  	_ =	sfence.sel $0xFFFF  }
0xbf: {  	[dreg:$0x0] =	wrdreg $0xFFFFFFFF;
	(pc) =	sbr.abs _section_cstart, $3  }
0xc0: {  	[dreg:$0x1] =	wrdreg $0xFFFFFFFF  }
0xc1: {  	_ =	task.clear_ibuf [dreg:s7], $0x2FFFF;
	_ =	strace $0x9FFFFFFF  }
0xc2: {  	(tm) =	ssettm $0x7FFFFFFF  }
0xc3: {  	_ =	shalt  }
tec
execute0_lowered:
.L_overlay_start_1:
0x0: {  	(tag) =	ssettag $0x1  }
0x1: {  	s5 =	rddreg [dreg:$0x0]  }
0x2: {  	s6 =	rddreg [dreg:$0x1]  }
0x3: {  	s0 =	rddreg [dreg:$0x2];
	s1 =	simm.s32 $0x0  }
0x4: {  	s4 =	srdreg.scid;
	s2 =	stileid.u32;
	s11 =	simm.s32 $0x2000  }
0x5: {  	s12 =	simm.s32 $0x2800;
	s13 =	simm.s32 $0x3000;
	s14 =	simm.s32 $0x0  }
0x6: {  	[smem:$0x7FF] =	sst s1;
	s3 =	sadd.s32 $0x100E00, s6;
	s4 =	sand.u32 $0x1, s4  }
0x7: {  	s7 =	sshll.u32 s2, $0x9;
	s8 =	sshll.u32 s4, $0x8;
	s9 =	ssub.s32 $0x2, s4  }
0x8: {  	_ =	strace $0x80000047;
	s7 =	sor.u32 s8, s7;
	s31 =	sshrl.u32 s9, $0x1  }
0x9: {  	s4 =	sadd.s32 $0x101000, s6;
	s10 =	sadd.s32 s7, s6;
	s8 =	ssub.s32 s9, s31  }
0xa: {  	s5 =	sadd.s32 s5, s7;
	s9 =	simm.s32 $0x1;
	s6 =	sadd.s32 $0xE00, s10  }
0xb: {  	s7 =	sadd.s32 $0x2E00, s10;
	s8 =	smax.u32 s8, $0x1;
	s10 =	simm.s32 $0x1000  }
.LBB2_1:
0xc: {  	[tilespmem:s1], [sflag:$0x1] =	stream.linear.gather [hbm4b:s3+s1], $0x1000, $0x38;
	[tilespmem:$0x3800] =	vst v63  }
0xd: {  	_ =	swait.ge [sflag:s9], $0x1000  }
0xe: {  	[sflag:s9] =	ssyncset.done $0x0  }
0xf: {  	[sflag:s9] =	ssyncadd.s32 $0xFFFFF000  }
0x10: {  	[tilespmem:s10], [sflag:$0x1] =	stream.linear.gather [hbm4b:s4+s1], $0x1000, $0x38;
	[tilespmem:$0x3800] =	vst v63  }
0x11: {  	_ =	swait.ge [sflag:s9], $0x1000  }
0x12: {  	[sflag:s9] =	ssyncset.done $0x0  }
0x13: {  	[sflag:s9] =	ssyncadd.s32 $0xFFFFF000  }
0x14: {  	[tilespmem:s11], [sflag:$0x1] =	stream.linear.gather [hbm4b:s5+s1], $0x800, $0x38;
	[tilespmem:$0x3800] =	vst v63  }
0x15: {  	_ =	swait.ge [sflag:s9], $0x800  }
0x16: {  	[sflag:s9] =	ssyncset.done $0x0  }
0x17: {  	s15 =	simm.s32 $0x0;
	[sflag:s9] =	ssyncadd.s32 $0xFFFFF800  }
0x18: {  	v0 =	vld [tilespmem:s15+$0x2000];
	_ =	sdelay $0x7  }
0x19: {  	v1 =	vld.idx.msk [tilespmem:v0+s1+$0x0], $0xffff;
	_ =	sdelay $0x3  }
0x1a: {  	s16 =	simm.s32 $0x10;
	s17 =	simm.s32 $0x80  }
.LBB2_2:
0x1b: {  	p0 =	sne.s32 s17, $0x1FC0;
	v2 =	vld [tilespmem:s16+$0x2000];
	[tilespmem:s15+$0x2800] =	vst v1  }
0x1c: {  	v1 =	vld.idx.msk [tilespmem:v0+s10+$0x0], $0xffff;
	_ =	sdelay $0x3  }
0x1d: {  	v0 =	vmov v2;
	_ =	sdelay $0x1  }
0x1e: {  	[tilespmem:s15+$0x3000] =	vst v1;
	s15 =	smov.u32 s16  }
0x1f: {  	v1 =	vld.idx.msk [tilespmem:v2+s1+$0x0], $0xffff  }
.Ltmp0:
0x20: {  	(pc) =	sbr.rel @p0 .LBB2_2-.Ltmp0, $2  }
0x21: {  	_ =	sdelay $0x2  }
0x22: {  	s16 =	sshra.s32 s17, $0x2;
	s17 =	sadd.s32 $0x40, s17  }
0x23: {  	_ =	sdelay $0x1  }
0x24: {  	v2 =	vld [tilespmem:s16+$0x2000]  }
0x25: {  	[tilespmem:s15+$0x2800] =	vst v1  }
0x26: {  	v0 =	vld.idx.msk [tilespmem:v0+s10+$0x0], $0xffff;
	_ =	sdelay $0x4  }
0x27: {  	[tilespmem:s15+$0x3000] =	vst v0  }
0x28: {  	v0 =	vld.idx.msk [tilespmem:v2+s1+$0x0], $0xffff;
	_ =	sdelay $0x4  }
0x29: {  	[tilespmem:s16+$0x2800] =	vst v0  }
0x2a: {  	v0 =	vld.idx.msk [tilespmem:v2+s10+$0x0], $0xffff;
	_ =	sdelay $0x4  }
0x2b: {  	[tilespmem:s16+$0x3000] =	vst v0  }
0x2c: {  	[hbm4b:s6+s1] =	stream.linear.scatter [tilespmem:s12], [sflag:$0x1], $0x800, $0x38;
	[tilespmem:$0x3800] =	vst v63  }
0x2d: {  	s14 =	sadd.s32 $0x1, s14;
	_ =	swait.ge [sflag:s9], $0x800  }
0x2e: {  	p0 =	sne.s32 s14, s8;
	[sflag:s9] =	ssyncset.done $0x0  }
.Ltmp1:
0x2f: {  	[sflag:s9] =	ssyncadd.s32 $0xFFFFF800;
	(pc) =	sbr.rel @p0 .LBB2_1-.Ltmp1, $4  }
0x30: {  	[hbm4b:s7+s1] =	stream.linear.scatter [tilespmem:s13], [sflag:$0x1], $0x800, $0x38;
	[tilespmem:$0x3800] =	vst v63  }
0x31: {  	_ =	swait.ge [sflag:s9], $0x800  }
0x32: {  	[sflag:s9] =	ssyncset.done $0x0  }
0x33: {  	[sflag:s9] =	ssyncadd.s32 $0xFFFFF800  }
0x34: {  	_ =	sfence.sel $0x180000  }
0x35: {  	[bflag:$0x0] =	sbarrier.arrive $0xFFFF  }
0x36: {  	p0 =	sne.s32 s2, $0x0;
	_ =	strace $0x90000047  }
0x37: {  	s0 =	sadd.s32 @!p0 $0x100000, s0;
	[bflag:$0x2] =	sbarrier.arrive $0xFFFF  }
0x38: {  	[sflag:s0] =	ssyncadd.tile.s32 @!p0 $0x1;
	_ =	shalt  }
.Lfunc_end2:
_tile_overlayer_lowered:
.L_overlay_start_2:
0x39: {  	(tag) =	ssettag $0x2  }
0x3a: {  	s0 =	rddreg [dreg:$0x0];
	s2 =	stileid.u32  }
0x3b: {  	s1 =	rddreg [dreg:$0x1];
	p0 =	sne.s32 s2, $0x0  }
0x3c: {  	s3 =	rddreg [dreg:$0x2];
	[bflag:$0x3] =	sbarrier.arrive $0xFFFF;
	s2 =	simm.s32 @!p0 $0x1C01  }
0x3d: {  	[timem:s3], [sflag:s2] =	dma.local @!p0 [hbm:s0], s1  }
0x3e: {  	s0 =	simm.s32 @!p0 $0x1  }
0x3f: {  	_ =	swait.ge @!p0 [sflag:s0], s1  }
0x40: {  	s1 =	ssub.s32 @!p0 $0x0, s1;
	[sflag:s0] =	ssyncset.done @!p0 $0x0  }
0x41: {  	[sflag:s0] =	ssyncadd.s32 @!p0 s1  }
0x42: {  	[bflag:$0x3] =	sbarrier.arrive $0xFFFF  }
0x43: {  	_ =	shalt  }

</sc_bundles>
